<compile_context>
chip_gen: v7x
topology: tpu7x:2x2x1
jax: 0.10.2.dev20260603
libtpu: 0.0.44.dev20260713+nightly
codegen_flags: <defaults>
</compile_context>

<pallas_src>
import functools

import jax
import jax.numpy as jnp
from jax import lax
from jax.experimental import pallas as pl
from jax.experimental.pallas import tpu as pltpu
from jax.experimental.pallas import tpu_sc as plsc

GAMMA = 0.8
EPS = 1e-14
B, D = 256, 256

_NC, _NS = 1, 16
_NW = _NC * _NS
_CW = B // _NW
_NT = 6


def _gather_body(tau_i_hbm, b_i_hbm, s_i_hbm, tau_t_hbm, b_t_hbm, s_t_hbm,
                 img_ids_hbm, txt_ids_hbm, blk,
                 idx_v, val_v, sem):
    wid = lax.axis_index("s") * _NC + lax.axis_index("c")
    base = pl.multiple_of(wid * _CW, _CW)

    tabs = (tau_i_hbm, b_i_hbm, s_i_hbm, tau_t_hbm, b_t_hbm, s_t_hbm)

    copies = [pltpu.async_copy(ids.at[pl.ds(base, _CW)], idx_v.at[j], sem)
              for j, ids in enumerate((img_ids_hbm, txt_ids_hbm))]
    for cp in copies:
        cp.wait()
    copies = [pltpu.async_copy(tabs[t].at[idx_v.at[t // 3]], val_v.at[t], sem)
              for t in range(_NT)]
    for cp in copies:
        cp.wait()
    copies = [pltpu.async_copy(val_v.at[t], blk.at[t, pl.ds(base, _CW)], sem)
              for t in range(_NT)]
    for cp in copies:
        cp.wait()


@functools.cache
def _make_gather_call():
    return functools.partial(
        pl.kernel,
        out_type=jax.ShapeDtypeStruct((8, B), jnp.float32),
        mesh=plsc.VectorSubcoreMesh(core_axis_name="c", subcore_axis_name="s",
                                    num_cores=_NC, num_subcores=_NS),
        scratch_types=[
            pltpu.VMEM((2, _CW), jnp.int32),
            pltpu.VMEM((_NT, _CW), jnp.float32),
            pltpu.SemaphoreType.DMA,
        ],
    )(_gather_body)


def _matmul_body(img_ref, txt_ref, dx_ref, dy_ref, mx_ref, my_ref):
    x = lax.dot_general(img_ref[...], txt_ref[...],
                        (((1,), (1,)), ((), ())),
                        preferred_element_type=jnp.float32)
    y = lax.dot_general(txt_ref[...], img_ref[...],
                        (((1,), (1,)), ((), ())),
                        preferred_element_type=jnp.float32)
    r = lax.broadcasted_iota(jnp.int32, (B, B), 0)
    c = lax.broadcasted_iota(jnp.int32, (B, B), 1)
    diag_row = jnp.sum(jnp.where(r == c, x, jnp.zeros_like(x)),
                       axis=0, keepdims=True)
    dx = x - diag_row
    dy = y - diag_row
    dx_ref[...] = dx
    dy_ref[...] = dy
    mx_ref[...] = jnp.max(dx, axis=0, keepdims=True)
    my_ref[...] = jnp.max(dy, axis=0, keepdims=True)


_matmul_call = pl.pallas_call(
    _matmul_body,
    out_shape=[
        jax.ShapeDtypeStruct((B, B), jnp.float32),
        jax.ShapeDtypeStruct((B, B), jnp.float32),
        jax.ShapeDtypeStruct((1, B), jnp.float32),
        jax.ShapeDtypeStruct((1, B), jnp.float32),
    ],
)


def _dense_body(dx_ref, dy_ref, mx_ref, my_ref, blk_ref, epoch_ref, loss_ref,
                tau_img_ref, tau_txt_ref):
    r = lax.broadcasted_iota(jnp.int32, (B, B), 0)
    c = lax.broadcasted_iota(jnp.int32, (B, B), 1)
    on_diag = r == c
    zero = jnp.zeros((B, B), jnp.float32)

    isf = jnp.where(epoch_ref[0] == 0, 1.0, 0.0)

    def side(diffs, dmax, tau_row, b_row, s_row):
        rcp_tau = 1.0 / tau_row
        dt = diffs * rcp_tau
        b_new = jnp.maximum(dmax * rcp_tau, b_row)
        e = jnp.where(on_diag, zero, jnp.exp(dt - b_new))
        g = jnp.sum(e, axis=0, keepdims=True)
        s_upd = (1.0 - GAMMA) * s_row * jnp.exp(b_row - b_new) + GAMMA * g
        s_v = isf * g + (1.0 - isf) * s_upd
        p = jnp.sum(e * diffs, axis=0, keepdims=True)
        return jnp.sum(p * (1.0 / jnp.maximum(s_v, EPS)))

    img_loss = side(dy_ref[...], my_ref[...],
                    blk_ref[0:1, :], blk_ref[1:2, :], blk_ref[2:3, :])
    txt_loss = side(dx_ref[...], mx_ref[...],
                    blk_ref[3:4, :], blk_ref[4:5, :], blk_ref[5:6, :])
    loss_ref[0, 0] = img_loss / B + txt_loss / B
    tau_img_ref[...] = lax.squeeze(blk_ref[0:1, :], (0,))
    tau_txt_ref[...] = lax.squeeze(blk_ref[3:4, :], (0,))


_dense_call = pl.pallas_call(
    _dense_body,
    in_specs=[
        pl.BlockSpec(),
        pl.BlockSpec(),
        pl.BlockSpec(),
        pl.BlockSpec(),
        pl.BlockSpec(),
        pl.BlockSpec(memory_space=pltpu.SMEM),
    ],
    out_shape=[
        jax.ShapeDtypeStruct((1, 1), jnp.float32),
        jax.ShapeDtypeStruct((B,), jnp.float32),
        jax.ShapeDtypeStruct((B,), jnp.float32),
    ],
    out_specs=[
        pl.BlockSpec(memory_space=pltpu.SMEM),
        pl.BlockSpec(),
        pl.BlockSpec(),
    ],
)


def kernel(image_features, text_features, image_ids, text_ids, epoch,
           max_epoch, s_I, s_T, b_I, b_T, tau_I, tau_T, u_I, u_T):
    dx, dy, mx, my = _matmul_call(image_features, text_features)
    blk = _make_gather_call()(
        tau_I, b_I, s_I, tau_T, b_T, s_T, image_ids, text_ids)

    epoch_arr = jnp.asarray(epoch, jnp.int32).reshape(1)
    loss, tau_img, tau_txt = _dense_call(dx, dy, mx, my, blk, epoch_arr)

    return (loss.reshape(()), tau_img, tau_txt)

# --- scband reference (transcript-rebuilt; emitter-appended) ---
"""Pipeline reference for scband-i-sog-clr-loss-6493990551848 (READ-ONLY COPY).

The authoritative reference and input builder live on the scoring server;
editing this copy changes nothing except your own understanding.
"""

import jax, jax.numpy as jnp
import numpy as np

N = 2900000
GAMMA = 0.8
TAU_INIT = 0.01
RHO = 8.0
EPS = 1e-14
TAU_MIN, TAU_MAX = 0.005, 0.05
ETA_INIT = 0.03
BETA_U = 0.5
GRAD_CLIP = 5.0
B, D = 256, 256


def setup_inputs(seed: int = 0) -> dict:
    key = jax.random.key(seed)
    k1, k2, k3, k4 = jax.random.split(key, 4)
    return {
        "image_features": jax.random.normal(k1, (B, D), dtype=jnp.float32),
        "text_features": jax.random.normal(k2, (B, D), dtype=jnp.float32),
        "image_ids": jax.random.randint(k3, (B,), 0, N, dtype=jnp.int32),
        "text_ids": jax.random.randint(k4, (B,), 0, N, dtype=jnp.int32),
        "epoch": 1,
        "max_epoch": 30,
        "s_I": jnp.zeros((N,), dtype=jnp.float32),
        "s_T": jnp.zeros((N,), dtype=jnp.float32),
        "b_I": jnp.zeros((N,), dtype=jnp.float32),
        "b_T": jnp.zeros((N,), dtype=jnp.float32),
        "tau_I": jnp.ones((N,), dtype=jnp.float32) * TAU_INIT,
        "tau_T": jnp.ones((N,), dtype=jnp.float32) * TAU_INIT,
        "u_I": jnp.zeros((N,), dtype=jnp.float32),
        "u_T": jnp.zeros((N,), dtype=jnp.float32),
    }


def reference(image_features, text_features, image_ids, text_ids, epoch, max_epoch,
              s_I, s_T, b_I, b_T, tau_I, tau_T, u_I, u_T):
    sim = jnp.einsum('id,jd->ij', image_features, text_features)
    diag_sim = jnp.diagonal(sim)
    bs = sim.shape[0]
    mask_neg = 1.0 - jnp.eye(bs, dtype=sim.dtype)

    tau_image = tau_I[image_ids]
    tau_text = tau_T[text_ids]

    image_diffs = sim - diag_sim[:, None]
    text_diffs = sim - diag_sim[None, :]

    image_diffs_d_temps = jax.lax.stop_gradient(image_diffs / tau_image[:, None])
    text_diffs_d_temps = jax.lax.stop_gradient(text_diffs / tau_text[None, :])

    old_b_I = b_I[image_ids]
    b_I_new = jnp.maximum(jnp.max(image_diffs_d_temps, axis=1), old_b_I)
    b_I = b_I.at[image_ids].set(b_I_new)

    old_b_T = b_T[text_ids]
    b_T_new = jnp.maximum(jnp.max(text_diffs_d_temps, axis=0), old_b_T)
    b_T = b_T.at[text_ids].set(b_T_new)

    exp_image_diffs = jnp.exp(image_diffs_d_temps - b_I_new[:, None]) * mask_neg
    exp_text_diffs = jnp.exp(text_diffs_d_temps - b_T_new[None, :]) * mask_neg

    g_I = jnp.sum(exp_image_diffs, axis=1, keepdims=True)
    g_T = jnp.sum(exp_text_diffs, axis=0, keepdims=True)

    is_first_epoch = (epoch == 0)
    s_I_v_upd = (1.0 - GAMMA) * s_I[image_ids] * jnp.exp(old_b_I - b_I_new) + GAMMA * jnp.squeeze(g_I)
    s_T_v_upd = (1.0 - GAMMA) * s_T[text_ids] * jnp.exp(old_b_T - b_T_new) + GAMMA * jnp.squeeze(g_T)
    s_I_v_upd = s_I_v_upd.reshape(g_I.shape)
    s_T_v_upd = s_T_v_upd.reshape(g_T.shape)
    s_I_v = jnp.where(is_first_epoch, g_I, s_I_v_upd)
    s_T_v = jnp.where(is_first_epoch, g_T, s_T_v_upd)

    s_I = s_I.at[image_ids].set(jnp.squeeze(s_I_v))
    s_T = s_T.at[text_ids].set(jnp.squeeze(s_T_v))

    s_I_c = jnp.maximum(s_I_v, EPS)
    s_T_c = jnp.maximum(s_T_v, EPS)

    weights_image = exp_image_diffs / s_I_c
    weights_text = exp_text_diffs / s_T_c

    image_loss = jnp.sum(weights_image * image_diffs, axis=1, keepdims=True)
    text_loss = jnp.sum(weights_text * text_diffs, axis=0, keepdims=True)
    total_loss = jnp.mean(image_loss) + jnp.mean(text_loss)

    temp_weight_image = jnp.log(s_I_c / (bs - 1)) + b_I_new[:, None] + RHO - jnp.sum(weights_image * image_diffs_d_temps, axis=1, keepdims=True)
    temp_weight_text = jnp.log(s_T_c / (bs - 1)) + b_T_new[None, :] + RHO - jnp.sum(weights_text * text_diffs_d_temps, axis=0, keepdims=True)

    u_I_new = (1.0 - BETA_U) * u_I[image_ids] + BETA_U * jnp.clip(jnp.squeeze(temp_weight_image), -GRAD_CLIP, GRAD_CLIP)
    u_T_new = (1.0 - BETA_U) * u_T[text_ids] + BETA_U * jnp.clip(jnp.squeeze(temp_weight_text), -GRAD_CLIP, GRAD_CLIP)
    u_I = u_I.at[image_ids].set(u_I_new)
    u_T = u_T.at[text_ids].set(u_T_new)

    tau_I = tau_I.at[image_ids].set(jnp.clip(tau_image - ETA_INIT * u_I_new, TAU_MIN, TAU_MAX))
    tau_T = tau_T.at[text_ids].set(jnp.clip(tau_text - ETA_INIT * u_T_new, TAU_MIN, TAU_MAX))

    return (total_loss, tau_image, tau_text)

if __name__ == "__main__":
    import jax
    _d = setup_inputs()
    print(jax.jit(kernel)(*tuple(_d.values())))

</pallas_src>

<mosaic_0001>
#map = affine_map<(d0, d1) -> (0)>
#map1 = affine_map<(d0, d1) -> (0, 0)>
module attributes {stable_mosaic.version = 14 : i64} {
  func.func @_gather_body(%arg0: i32, %arg1: i32, %arg2: memref<2900000xf32, #tpu.memory_space<hbm>>, %arg3: memref<2900000xf32, #tpu.memory_space<hbm>>, %arg4: memref<2900000xf32, #tpu.memory_space<hbm>>, %arg5: memref<2900000xf32, #tpu.memory_space<hbm>>, %arg6: memref<2900000xf32, #tpu.memory_space<hbm>>, %arg7: memref<2900000xf32, #tpu.memory_space<hbm>>, %arg8: memref<256xi32, #tpu.memory_space<hbm>>, %arg9: memref<256xi32, #tpu.memory_space<hbm>>, %arg10: memref<8x256xf32, #tpu.memory_space<hbm>>, %arg11: memref<2x16xi32, #tpu.memory_space<vmem>>, %arg12: memref<6x16xf32, #tpu.memory_space<vmem>>, %arg13: memref<!tpu.dma_semaphore, #tpu.memory_space<semaphore_mem>>) attributes {dimension_semantics = [#tpu.dimension_semantics<core_parallel>, #tpu.dimension_semantics<subcore_parallel>], iteration_bounds = array<i64: 1, 16>, scalar_prefetch = 0 : i64, scratch_operands = 3 : i64, tpu.core_type = #tpu.core_type<sc_vector_subcore>, window_params = [{transform_indices = #map}, {transform_indices = #map}, {transform_indices = #map}, {transform_indices = #map}, {transform_indices = #map}, {transform_indices = #map}, {transform_indices = #map}, {transform_indices = #map}, {transform_indices = #map1}]} {
    %mul3A = arith.constant 1 : i32
    %mul3A_0 = arith.muli %arg1, %mul3A : i32
    %add3A = arith.addi %mul3A_0, %arg0 : i32
    %mul3A_1 = arith.constant 16 : i32
    %mul3A_2 = arith.muli %add3A, %mul3A_1 : i32
    %multiple_of3A = tpu.assume_multiple %mul3A_2, 16 : i32
    %dma_start3A = arith.constant 0 : i32
    %dma_start3A_3 = arith.constant 0 : i32
    %dma_start3A_4 = tpu.memref_slice %arg11[%dma_start3A, %dma_start3A_3] : memref<2x16xi32, #tpu.memory_space<vmem>> -> memref<1x16xi32, #tpu.memory_space<vmem>>
    %dma_start3A_5 = tpu.memref_squeeze %dma_start3A_4 : memref<1x16xi32, #tpu.memory_space<vmem>> -> memref<16xi32, #tpu.memory_space<vmem>>
    %dma_start3A_6 = tpu.memref_slice %arg8[%multiple_of3A] : memref<256xi32, #tpu.memory_space<hbm>> -> memref<16xi32, #tpu.memory_space<hbm>>
    %dma_start3A_7 = arith.constant 0 : i32
    %dma_start3A_8 = tpu.memref_slice %arg11[%dma_start3A, %dma_start3A_7] : memref<2x16xi32, #tpu.memory_space<vmem>> -> memref<1x16xi32, #tpu.memory_space<vmem>>
    %dma_start3A_9 = tpu.memref_squeeze %dma_start3A_8 : memref<1x16xi32, #tpu.memory_space<vmem>> -> memref<16xi32, #tpu.memory_space<vmem>>
    %dma_start3A_10 = tpu.memref_slice %arg8[%multiple_of3A] : memref<256xi32, #tpu.memory_space<hbm>> -> memref<16xi32, #tpu.memory_space<hbm>>
    tpu.enqueue_dma source(%dma_start3A_10 : memref<16xi32, #tpu.memory_space<hbm>>) target(%dma_start3A_9 : memref<16xi32, #tpu.memory_space<vmem>>) target_semaphore(%arg13 : memref<!tpu.dma_semaphore, #tpu.memory_space<semaphore_mem>>)
    %dma_start3A_11 = arith.constant 1 : i32
    %dma_start3A_12 = arith.constant 0 : i32
    %dma_start3A_13 = tpu.memref_slice %arg11[%dma_start3A_11, %dma_start3A_12] : memref<2x16xi32, #tpu.memory_space<vmem>> -> memref<1x16xi32, #tpu.memory_space<vmem>>
    %dma_start3A_14 = tpu.memref_squeeze %dma_start3A_13 : memref<1x16xi32, #tpu.memory_space<vmem>> -> memref<16xi32, #tpu.memory_space<vmem>>
    %dma_start3A_15 = tpu.memref_slice %arg9[%multiple_of3A] : memref<256xi32, #tpu.memory_space<hbm>> -> memref<16xi32, #tpu.memory_space<hbm>>
    %dma_start3A_16 = arith.constant 0 : i32
    %dma_start3A_17 = tpu.memref_slice %arg11[%dma_start3A_11, %dma_start3A_16] : memref<2x16xi32, #tpu.memory_space<vmem>> -> memref<1x16xi32, #tpu.memory_space<vmem>>
    %dma_start3A_18 = tpu.memref_squeeze %dma_start3A_17 : memref<1x16xi32, #tpu.memory_space<vmem>> -> memref<16xi32, #tpu.memory_space<vmem>>
    %dma_start3A_19 = tpu.memref_slice %arg9[%multiple_of3A] : memref<256xi32, #tpu.memory_space<hbm>> -> memref<16xi32, #tpu.memory_space<hbm>>
    tpu.enqueue_dma source(%dma_start3A_19 : memref<16xi32, #tpu.memory_space<hbm>>) target(%dma_start3A_18 : memref<16xi32, #tpu.memory_space<vmem>>) target_semaphore(%arg13 : memref<!tpu.dma_semaphore, #tpu.memory_space<semaphore_mem>>)
    %dma_wait3A = arith.constant 0 : i32
    %dma_wait3A_20 = arith.constant 0 : i32
    %dma_wait3A_21 = tpu.memref_slice %arg11[%dma_wait3A, %dma_wait3A_20] : memref<2x16xi32, #tpu.memory_space<vmem>> -> memref<1x16xi32, #tpu.memory_space<vmem>>
    %dma_wait3A_22 = tpu.memref_squeeze %dma_wait3A_21 : memref<1x16xi32, #tpu.memory_space<vmem>> -> memref<16xi32, #tpu.memory_space<vmem>>
    %dma_wait3A_23 = tpu.memref_slice %arg8[%multiple_of3A] : memref<256xi32, #tpu.memory_space<hbm>> -> memref<16xi32, #tpu.memory_space<hbm>>
    %dma_wait3A_24 = arith.constant 0 : i32
    %dma_wait3A_25 = tpu.memref_slice %arg11[%dma_wait3A, %dma_wait3A_24] : memref<2x16xi32, #tpu.memory_space<vmem>> -> memref<1x16xi32, #tpu.memory_space<vmem>>
    %dma_wait3A_26 = tpu.memref_squeeze %dma_wait3A_25 : memref<1x16xi32, #tpu.memory_space<vmem>> -> memref<16xi32, #tpu.memory_space<vmem>>
    %dma_wait3A_27 = tpu.memref_slice %arg8[%multiple_of3A] : memref<256xi32, #tpu.memory_space<hbm>> -> memref<16xi32, #tpu.memory_space<hbm>>
    tpu.wait_dma2 semaphore(%arg13 : memref<!tpu.dma_semaphore, #tpu.memory_space<semaphore_mem>>) src(%dma_wait3A_27 : memref<16xi32, #tpu.memory_space<hbm>>) dst(%dma_wait3A_26 : memref<16xi32, #tpu.memory_space<vmem>>)
    %dma_wait3A_28 = arith.constant 1 : i32
    %dma_wait3A_29 = arith.constant 0 : i32
    %dma_wait3A_30 = tpu.memref_slice %arg11[%dma_wait3A_28, %dma_wait3A_29] : memref<2x16xi32, #tpu.memory_space<vmem>> -> memref<1x16xi32, #tpu.memory_space<vmem>>
    %dma_wait3A_31 = tpu.memref_squeeze %dma_wait3A_30 : memref<1x16xi32, #tpu.memory_space<vmem>> -> memref<16xi32, #tpu.memory_space<vmem>>
    %dma_wait3A_32 = tpu.memref_slice %arg9[%multiple_of3A] : memref<256xi32, #tpu.memory_space<hbm>> -> memref<16xi32, #tpu.memory_space<hbm>>
    %dma_wait3A_33 = arith.constant 0 : i32
    %dma_wait3A_34 = tpu.memref_slice %arg11[%dma_wait3A_28, %dma_wait3A_33] : memref<2x16xi32, #tpu.memory_space<vmem>> -> memref<1x16xi32, #tpu.memory_space<vmem>>
    %dma_wait3A_35 = tpu.memref_squeeze %dma_wait3A_34 : memref<1x16xi32, #tpu.memory_space<vmem>> -> memref<16xi32, #tpu.memory_space<vmem>>
    %dma_wait3A_36 = tpu.memref_slice %arg9[%multiple_of3A] : memref<256xi32, #tpu.memory_space<hbm>> -> memref<16xi32, #tpu.memory_space<hbm>>
    tpu.wait_dma2 semaphore(%arg13 : memref<!tpu.dma_semaphore, #tpu.memory_space<semaphore_mem>>) src(%dma_wait3A_36 : memref<16xi32, #tpu.memory_space<hbm>>) dst(%dma_wait3A_35 : memref<16xi32, #tpu.memory_space<vmem>>)
    %dma_start3A_37 = arith.constant 0 : i32
    %dma_start3A_38 = arith.constant 0 : i32
    %dma_start3A_39 = arith.constant 0 : i32
    %dma_start3A_40 = tpu.memref_slice %arg12[%dma_start3A_38, %dma_start3A_39] : memref<6x16xf32, #tpu.memory_space<vmem>> -> memref<1x16xf32, #tpu.memory_space<vmem>>
    %dma_start3A_41 = tpu.memref_squeeze %dma_start3A_40 : memref<1x16xf32, #tpu.memory_space<vmem>> -> memref<16xf32, #tpu.memory_space<vmem>>
    %dma_start3A_42 = arith.constant 0 : i32
    %dma_start3A_43 = tpu.memref_slice %arg11[%dma_start3A_37, %dma_start3A_42] : memref<2x16xi32, #tpu.memory_space<vmem>> -> memref<1x16xi32, #tpu.memory_space<vmem>>
    %dma_start3A_44 = tpu.memref_squeeze %dma_start3A_43 : memref<1x16xi32, #tpu.memory_space<vmem>> -> memref<16xi32, #tpu.memory_space<vmem>>
    %dma_start3A_45 = arith.constant 0 : i32
    %dma_start3A_46 = tpu.memref_slice %arg2[%dma_start3A_45] : memref<2900000xf32, #tpu.memory_space<hbm>> -> memref<2900000xf32, #tpu.memory_space<hbm>>
    tpu.enqueue_indirect_dma source(%dma_start3A_46 : memref<2900000xf32, #tpu.memory_space<hbm>>) target(%dma_start3A_41 : memref<16xf32, #tpu.memory_space<vmem>>) offsets(%dma_start3A_44 : memref<16xi32, #tpu.memory_space<vmem>>) semaphore(%arg13 : memref<!tpu.dma_semaphore, #tpu.memory_space<semaphore_mem>>)
    %dma_start3A_47 = arith.constant 0 : i32
    %dma_start3A_48 = arith.constant 1 : i32
    %dma_start3A_49 = arith.constant 0 : i32
    %dma_start3A_50 = tpu.memref_slice %arg12[%dma_start3A_48, %dma_start3A_49] : memref<6x16xf32, #tpu.memory_space<vmem>> -> memref<1x16xf32, #tpu.memory_space<vmem>>
    %dma_start3A_51 = tpu.memref_squeeze %dma_start3A_50 : memref<1x16xf32, #tpu.memory_space<vmem>> -> memref<16xf32, #tpu.memory_space<vmem>>
    %dma_start3A_52 = arith.constant 0 : i32
    %dma_start3A_53 = tpu.memref_slice %arg11[%dma_start3A_47, %dma_start3A_52] : memref<2x16xi32, #tpu.memory_space<vmem>> -> memref<1x16xi32, #tpu.memory_space<vmem>>
    %dma_start3A_54 = tpu.memref_squeeze %dma_start3A_53 : memref<1x16xi32, #tpu.memory_space<vmem>> -> memref<16xi32, #tpu.memory_space<vmem>>
    %dma_start3A_55 = arith.constant 0 : i32
    %dma_start3A_56 = tpu.memref_slice %arg3[%dma_start3A_55] : memref<2900000xf32, #tpu.memory_space<hbm>> -> memref<2900000xf32, #tpu.memory_space<hbm>>
    tpu.enqueue_indirect_dma source(%dma_start3A_56 : memref<2900000xf32, #tpu.memory_space<hbm>>) target(%dma_start3A_51 : memref<16xf32, #tpu.memory_space<vmem>>) offsets(%dma_start3A_54 : memref<16xi32, #tpu.memory_space<vmem>>) semaphore(%arg13 : memref<!tpu.dma_semaphore, #tpu.memory_space<semaphore_mem>>)
    %dma_start3A_57 = arith.constant 0 : i32
    %dma_start3A_58 = arith.constant 2 : i32
    %dma_start3A_59 = arith.constant 0 : i32
    %dma_start3A_60 = tpu.memref_slice %arg12[%dma_start3A_58, %dma_start3A_59] : memref<6x16xf32, #tpu.memory_space<vmem>> -> memref<1x16xf32, #tpu.memory_space<vmem>>
    %dma_start3A_61 = tpu.memref_squeeze %dma_start3A_60 : memref<1x16xf32, #tpu.memory_space<vmem>> -> memref<16xf32, #tpu.memory_space<vmem>>
    %dma_start3A_62 = arith.constant 0 : i32
    %dma_start3A_63 = tpu.memref_slice %arg11[%dma_start3A_57, %dma_start3A_62] : memref<2x16xi32, #tpu.memory_space<vmem>> -> memref<1x16xi32, #tpu.memory_space<vmem>>
    %dma_start3A_64 = tpu.memref_squeeze %dma_start3A_63 : memref<1x16xi32, #tpu.memory_space<vmem>> -> memref<16xi32, #tpu.memory_space<vmem>>
    %dma_start3A_65 = arith.constant 0 : i32
    %dma_start3A_66 = tpu.memref_slice %arg4[%dma_start3A_65] : memref<2900000xf32, #tpu.memory_space<hbm>> -> memref<2900000xf32, #tpu.memory_space<hbm>>
    tpu.enqueue_indirect_dma source(%dma_start3A_66 : memref<2900000xf32, #tpu.memory_space<hbm>>) target(%dma_start3A_61 : memref<16xf32, #tpu.memory_space<vmem>>) offsets(%dma_start3A_64 : memref<16xi32, #tpu.memory_space<vmem>>) semaphore(%arg13 : memref<!tpu.dma_semaphore, #tpu.memory_space<semaphore_mem>>)
    %dma_start3A_67 = arith.constant 1 : i32
    %dma_start3A_68 = arith.constant 3 : i32
    %dma_start3A_69 = arith.constant 0 : i32
    %dma_start3A_70 = tpu.memref_slice %arg12[%dma_start3A_68, %dma_start3A_69] : memref<6x16xf32, #tpu.memory_space<vmem>> -> memref<1x16xf32, #tpu.memory_space<vmem>>
    %dma_start3A_71 = tpu.memref_squeeze %dma_start3A_70 : memref<1x16xf32, #tpu.memory_space<vmem>> -> memref<16xf32, #tpu.memory_space<vmem>>
    %dma_start3A_72 = arith.constant 0 : i32
    %dma_start3A_73 = tpu.memref_slice %arg11[%dma_start3A_67, %dma_start3A_72] : memref<2x16xi32, #tpu.memory_space<vmem>> -> memref<1x16xi32, #tpu.memory_space<vmem>>
    %dma_start3A_74 = tpu.memref_squeeze %dma_start3A_73 : memref<1x16xi32, #tpu.memory_space<vmem>> -> memref<16xi32, #tpu.memory_space<vmem>>
    %dma_start3A_75 = arith.constant 0 : i32
    %dma_start3A_76 = tpu.memref_slice %arg5[%dma_start3A_75] : memref<2900000xf32, #tpu.memory_space<hbm>> -> memref<2900000xf32, #tpu.memory_space<hbm>>
    tpu.enqueue_indirect_dma source(%dma_start3A_76 : memref<2900000xf32, #tpu.memory_space<hbm>>) target(%dma_start3A_71 : memref<16xf32, #tpu.memory_space<vmem>>) offsets(%dma_start3A_74 : memref<16xi32, #tpu.memory_space<vmem>>) semaphore(%arg13 : memref<!tpu.dma_semaphore, #tpu.memory_space<semaphore_mem>>)
    %dma_start3A_77 = arith.constant 1 : i32
    %dma_start3A_78 = arith.constant 4 : i32
    %dma_start3A_79 = arith.constant 0 : i32
    %dma_start3A_80 = tpu.memref_slice %arg12[%dma_start3A_78, %dma_start3A_79] : memref<6x16xf32, #tpu.memory_space<vmem>> -> memref<1x16xf32, #tpu.memory_space<vmem>>
    %dma_start3A_81 = tpu.memref_squeeze %dma_start3A_80 : memref<1x16xf32, #tpu.memory_space<vmem>> -> memref<16xf32, #tpu.memory_space<vmem>>
    %dma_start3A_82 = arith.constant 0 : i32
    %dma_start3A_83 = tpu.memref_slice %arg11[%dma_start3A_77, %dma_start3A_82] : memref<2x16xi32, #tpu.memory_space<vmem>> -> memref<1x16xi32, #tpu.memory_space<vmem>>
    %dma_start3A_84 = tpu.memref_squeeze %dma_start3A_83 : memref<1x16xi32, #tpu.memory_space<vmem>> -> memref<16xi32, #tpu.memory_space<vmem>>
    %dma_start3A_85 = arith.constant 0 : i32
    %dma_start3A_86 = tpu.memref_slice %arg6[%dma_start3A_85] : memref<2900000xf32, #tpu.memory_space<hbm>> -> memref<2900000xf32, #tpu.memory_space<hbm>>
    tpu.enqueue_indirect_dma source(%dma_start3A_86 : memref<2900000xf32, #tpu.memory_space<hbm>>) target(%dma_start3A_81 : memref<16xf32, #tpu.memory_space<vmem>>) offsets(%dma_start3A_84 : memref<16xi32, #tpu.memory_space<vmem>>) semaphore(%arg13 : memref<!tpu.dma_semaphore, #tpu.memory_space<semaphore_mem>>)
    %dma_start3A_87 = arith.constant 1 : i32
    %dma_start3A_88 = arith.constant 5 : i32
    %dma_start3A_89 = arith.constant 0 : i32
    %dma_start3A_90 = tpu.memref_slice %arg12[%dma_start3A_88, %dma_start3A_89] : memref<6x16xf32, #tpu.memory_space<vmem>> -> memref<1x16xf32, #tpu.memory_space<vmem>>
    %dma_start3A_91 = tpu.memref_squeeze %dma_start3A_90 : memref<1x16xf32, #tpu.memory_space<vmem>> -> memref<16xf32, #tpu.memory_space<vmem>>
    %dma_start3A_92 = arith.constant 0 : i32
    %dma_start3A_93 = tpu.memref_slice %arg11[%dma_start3A_87, %dma_start3A_92] : memref<2x16xi32, #tpu.memory_space<vmem>> -> memref<1x16xi32, #tpu.memory_space<vmem>>
    %dma_start3A_94 = tpu.memref_squeeze %dma_start3A_93 : memref<1x16xi32, #tpu.memory_space<vmem>> -> memref<16xi32, #tpu.memory_space<vmem>>
    %dma_start3A_95 = arith.constant 0 : i32
    %dma_start3A_96 = tpu.memref_slice %arg7[%dma_start3A_95] : memref<2900000xf32, #tpu.memory_space<hbm>> -> memref<2900000xf32, #tpu.memory_space<hbm>>
    tpu.enqueue_indirect_dma source(%dma_start3A_96 : memref<2900000xf32, #tpu.memory_space<hbm>>) target(%dma_start3A_91 : memref<16xf32, #tpu.memory_space<vmem>>) offsets(%dma_start3A_94 : memref<16xi32, #tpu.memory_space<vmem>>) semaphore(%arg13 : memref<!tpu.dma_semaphore, #tpu.memory_space<semaphore_mem>>)
    %dma_wait3A_97 = arith.constant 0 : i32
    %dma_wait3A_98 = arith.constant 0 : i32
    %dma_wait3A_99 = arith.constant 0 : i32
    %dma_wait3A_100 = tpu.memref_slice %arg12[%dma_wait3A_98, %dma_wait3A_99] : memref<6x16xf32, #tpu.memory_space<vmem>> -> memref<1x16xf32, #tpu.memory_space<vmem>>
    %dma_wait3A_101 = tpu.memref_squeeze %dma_wait3A_100 : memref<1x16xf32, #tpu.memory_space<vmem>> -> memref<16xf32, #tpu.memory_space<vmem>>
    %dma_wait3A_102 = arith.constant 0 : i32
    %dma_wait3A_103 = tpu.memref_slice %arg11[%dma_wait3A_97, %dma_wait3A_102] : memref<2x16xi32, #tpu.memory_space<vmem>> -> memref<1x16xi32, #tpu.memory_space<vmem>>
    %dma_wait3A_104 = tpu.memref_squeeze %dma_wait3A_103 : memref<1x16xi32, #tpu.memory_space<vmem>> -> memref<16xi32, #tpu.memory_space<vmem>>
    %dma_wait3A_105 = arith.constant 0 : i32
    %dma_wait3A_106 = tpu.memref_slice %arg2[%dma_wait3A_105] : memref<2900000xf32, #tpu.memory_space<hbm>> -> memref<2900000xf32, #tpu.memory_space<hbm>>
    tpu.wait_indirect_dma semaphore(%arg13 : memref<!tpu.dma_semaphore, #tpu.memory_space<semaphore_mem>>) src(%dma_wait3A_106 : memref<2900000xf32, #tpu.memory_space<hbm>>) dst(%dma_wait3A_101 : memref<16xf32, #tpu.memory_space<vmem>>)
    %dma_wait3A_107 = arith.constant 0 : i32
    %dma_wait3A_108 = arith.constant 1 : i32
    %dma_wait3A_109 = arith.constant 0 : i32
    %dma_wait3A_110 = tpu.memref_slice %arg12[%dma_wait3A_108, %dma_wait3A_109] : memref<6x16xf32, #tpu.memory_space<vmem>> -> memref<1x16xf32, #tpu.memory_space<vmem>>
    %dma_wait3A_111 = tpu.memref_squeeze %dma_wait3A_110 : memref<1x16xf32, #tpu.memory_space<vmem>> -> memref<16xf32, #tpu.memory_space<vmem>>
    %dma_wait3A_112 = arith.constant 0 : i32
    %dma_wait3A_113 = tpu.memref_slice %arg11[%dma_wait3A_107, %dma_wait3A_112] : memref<2x16xi32, #tpu.memory_space<vmem>> -> memref<1x16xi32, #tpu.memory_space<vmem>>
    %dma_wait3A_114 = tpu.memref_squeeze %dma_wait3A_113 : memref<1x16xi32, #tpu.memory_space<vmem>> -> memref<16xi32, #tpu.memory_space<vmem>>
    %dma_wait3A_115 = arith.constant 0 : i32
    %dma_wait3A_116 = tpu.memref_slice %arg3[%dma_wait3A_115] : memref<2900000xf32, #tpu.memory_space<hbm>> -> memref<2900000xf32, #tpu.memory_space<hbm>>
    tpu.wait_indirect_dma semaphore(%arg13 : memref<!tpu.dma_semaphore, #tpu.memory_space<semaphore_mem>>) src(%dma_wait3A_116 : memref<2900000xf32, #tpu.memory_space<hbm>>) dst(%dma_wait3A_111 : memref<16xf32, #tpu.memory_space<vmem>>)
    %dma_wait3A_117 = arith.constant 0 : i32
    %dma_wait3A_118 = arith.constant 2 : i32
    %dma_wait3A_119 = arith.constant 0 : i32
    %dma_wait3A_120 = tpu.memref_slice %arg12[%dma_wait3A_118, %dma_wait3A_119] : memref<6x16xf32, #tpu.memory_space<vmem>> -> memref<1x16xf32, #tpu.memory_space<vmem>>
    %dma_wait3A_121 = tpu.memref_squeeze %dma_wait3A_120 : memref<1x16xf32, #tpu.memory_space<vmem>> -> memref<16xf32, #tpu.memory_space<vmem>>
    %dma_wait3A_122 = arith.constant 0 : i32
    %dma_wait3A_123 = tpu.memref_slice %arg11[%dma_wait3A_117, %dma_wait3A_122] : memref<2x16xi32, #tpu.memory_space<vmem>> -> memref<1x16xi32, #tpu.memory_space<vmem>>
    %dma_wait3A_124 = tpu.memref_squeeze %dma_wait3A_123 : memref<1x16xi32, #tpu.memory_space<vmem>> -> memref<16xi32, #tpu.memory_space<vmem>>
    %dma_wait3A_125 = arith.constant 0 : i32
    %dma_wait3A_126 = tpu.memref_slice %arg4[%dma_wait3A_125] : memref<2900000xf32, #tpu.memory_space<hbm>> -> memref<2900000xf32, #tpu.memory_space<hbm>>
    tpu.wait_indirect_dma semaphore(%arg13 : memref<!tpu.dma_semaphore, #tpu.memory_space<semaphore_mem>>) src(%dma_wait3A_126 : memref<2900000xf32, #tpu.memory_space<hbm>>) dst(%dma_wait3A_121 : memref<16xf32, #tpu.memory_space<vmem>>)
    %dma_wait3A_127 = arith.constant 1 : i32
    %dma_wait3A_128 = arith.constant 3 : i32
    %dma_wait3A_129 = arith.constant 0 : i32
    %dma_wait3A_130 = tpu.memref_slice %arg12[%dma_wait3A_128, %dma_wait3A_129] : memref<6x16xf32, #tpu.memory_space<vmem>> -> memref<1x16xf32, #tpu.memory_space<vmem>>
    %dma_wait3A_131 = tpu.memref_squeeze %dma_wait3A_130 : memref<1x16xf32, #tpu.memory_space<vmem>> -> memref<16xf32, #tpu.memory_space<vmem>>
    %dma_wait3A_132 = arith.constant 0 : i32
    %dma_wait3A_133 = tpu.memref_slice %arg11[%dma_wait3A_127, %dma_wait3A_132] : memref<2x16xi32, #tpu.memory_space<vmem>> -> memref<1x16xi32, #tpu.memory_space<vmem>>
    %dma_wait3A_134 = tpu.memref_squeeze %dma_wait3A_133 : memref<1x16xi32, #tpu.memory_space<vmem>> -> memref<16xi32, #tpu.memory_space<vmem>>
    %dma_wait3A_135 = arith.constant 0 : i32
    %dma_wait3A_136 = tpu.memref_slice %arg5[%dma_wait3A_135] : memref<2900000xf32, #tpu.memory_space<hbm>> -> memref<2900000xf32, #tpu.memory_space<hbm>>
    tpu.wait_indirect_dma semaphore(%arg13 : memref<!tpu.dma_semaphore, #tpu.memory_space<semaphore_mem>>) src(%dma_wait3A_136 : memref<2900000xf32, #tpu.memory_space<hbm>>) dst(%dma_wait3A_131 : memref<16xf32, #tpu.memory_space<vmem>>)
    %dma_wait3A_137 = arith.constant 1 : i32
    %dma_wait3A_138 = arith.constant 4 : i32
    %dma_wait3A_139 = arith.constant 0 : i32
    %dma_wait3A_140 = tpu.memref_slice %arg12[%dma_wait3A_138, %dma_wait3A_139] : memref<6x16xf32, #tpu.memory_space<vmem>> -> memref<1x16xf32, #tpu.memory_space<vmem>>
    %dma_wait3A_141 = tpu.memref_squeeze %dma_wait3A_140 : memref<1x16xf32, #tpu.memory_space<vmem>> -> memref<16xf32, #tpu.memory_space<vmem>>
    %dma_wait3A_142 = arith.constant 0 : i32
    %dma_wait3A_143 = tpu.memref_slice %arg11[%dma_wait3A_137, %dma_wait3A_142] : memref<2x16xi32, #tpu.memory_space<vmem>> -> memref<1x16xi32, #tpu.memory_space<vmem>>
    %dma_wait3A_144 = tpu.memref_squeeze %dma_wait3A_143 : memref<1x16xi32, #tpu.memory_space<vmem>> -> memref<16xi32, #tpu.memory_space<vmem>>
    %dma_wait3A_145 = arith.constant 0 : i32
    %dma_wait3A_146 = tpu.memref_slice %arg6[%dma_wait3A_145] : memref<2900000xf32, #tpu.memory_space<hbm>> -> memref<2900000xf32, #tpu.memory_space<hbm>>
    tpu.wait_indirect_dma semaphore(%arg13 : memref<!tpu.dma_semaphore, #tpu.memory_space<semaphore_mem>>) src(%dma_wait3A_146 : memref<2900000xf32, #tpu.memory_space<hbm>>) dst(%dma_wait3A_141 : memref<16xf32, #tpu.memory_space<vmem>>)
    %dma_wait3A_147 = arith.constant 1 : i32
    %dma_wait3A_148 = arith.constant 5 : i32
    %dma_wait3A_149 = arith.constant 0 : i32
    %dma_wait3A_150 = tpu.memref_slice %arg12[%dma_wait3A_148, %dma_wait3A_149] : memref<6x16xf32, #tpu.memory_space<vmem>> -> memref<1x16xf32, #tpu.memory_space<vmem>>
    %dma_wait3A_151 = tpu.memref_squeeze %dma_wait3A_150 : memref<1x16xf32, #tpu.memory_space<vmem>> -> memref<16xf32, #tpu.memory_space<vmem>>
    %dma_wait3A_152 = arith.constant 0 : i32
    %dma_wait3A_153 = tpu.memref_slice %arg11[%dma_wait3A_147, %dma_wait3A_152] : memref<2x16xi32, #tpu.memory_space<vmem>> -> memref<1x16xi32, #tpu.memory_space<vmem>>
    %dma_wait3A_154 = tpu.memref_squeeze %dma_wait3A_153 : memref<1x16xi32, #tpu.memory_space<vmem>> -> memref<16xi32, #tpu.memory_space<vmem>>
    %dma_wait3A_155 = arith.constant 0 : i32
    %dma_wait3A_156 = tpu.memref_slice %arg7[%dma_wait3A_155] : memref<2900000xf32, #tpu.memory_space<hbm>> -> memref<2900000xf32, #tpu.memory_space<hbm>>
    tpu.wait_indirect_dma semaphore(%arg13 : memref<!tpu.dma_semaphore, #tpu.memory_space<semaphore_mem>>) src(%dma_wait3A_156 : memref<2900000xf32, #tpu.memory_space<hbm>>) dst(%dma_wait3A_151 : memref<16xf32, #tpu.memory_space<vmem>>)
    %dma_start3A_157 = arith.constant 0 : i32
    %dma_start3A_158 = arith.constant 0 : i32
    %dma_start3A_159 = arith.constant 0 : i32
    %dma_start3A_160 = tpu.memref_slice %arg12[%dma_start3A_157, %dma_start3A_159] : memref<6x16xf32, #tpu.memory_space<vmem>> -> memref<1x16xf32, #tpu.memory_space<vmem>>
    %dma_start3A_161 = tpu.memref_squeeze %dma_start3A_160 : memref<1x16xf32, #tpu.memory_space<vmem>> -> memref<16xf32, #tpu.memory_space<vmem>>
    %dma_start3A_162 = tpu.memref_slice %arg10[%dma_start3A_158, %multiple_of3A] : memref<8x256xf32, #tpu.memory_space<hbm>> -> memref<1x16xf32, #tpu.memory_space<hbm>>
    %dma_start3A_163 = tpu.memref_squeeze %dma_start3A_162 : memref<1x16xf32, #tpu.memory_space<hbm>> -> memref<16xf32, #tpu.memory_space<hbm>>
    %dma_start3A_164 = tpu.memref_slice %arg10[%dma_start3A_158, %multiple_of3A] : memref<8x256xf32, #tpu.memory_space<hbm>> -> memref<1x16xf32, #tpu.memory_space<hbm>>
    %dma_start3A_165 = tpu.memref_squeeze %dma_start3A_164 : memref<1x16xf32, #tpu.memory_space<hbm>> -> memref<16xf32, #tpu.memory_space<hbm>>
    %dma_start3A_166 = arith.constant 0 : i32
    %dma_start3A_167 = tpu.memref_slice %arg12[%dma_start3A_157, %dma_start3A_166] : memref<6x16xf32, #tpu.memory_space<vmem>> -> memref<1x16xf32, #tpu.memory_space<vmem>>
    %dma_start3A_168 = tpu.memref_squeeze %dma_start3A_167 : memref<1x16xf32, #tpu.memory_space<vmem>> -> memref<16xf32, #tpu.memory_space<vmem>>
    tpu.enqueue_dma source(%dma_start3A_168 : memref<16xf32, #tpu.memory_space<vmem>>) target(%dma_start3A_165 : memref<16xf32, #tpu.memory_space<hbm>>) target_semaphore(%arg13 : memref<!tpu.dma_semaphore, #tpu.memory_space<semaphore_mem>>)
    %dma_start3A_169 = arith.constant 1 : i32
    %dma_start3A_170 = arith.constant 1 : i32
    %dma_start3A_171 = arith.constant 0 : i32
    %dma_start3A_172 = tpu.memref_slice %arg12[%dma_start3A_169, %dma_start3A_171] : memref<6x16xf32, #tpu.memory_space<vmem>> -> memref<1x16xf32, #tpu.memory_space<vmem>>
    %dma_start3A_173 = tpu.memref_squeeze %dma_start3A_172 : memref<1x16xf32, #tpu.memory_space<vmem>> -> memref<16xf32, #tpu.memory_space<vmem>>
    %dma_start3A_174 = tpu.memref_slice %arg10[%dma_start3A_170, %multiple_of3A] : memref<8x256xf32, #tpu.memory_space<hbm>> -> memref<1x16xf32, #tpu.memory_space<hbm>>
    %dma_start3A_175 = tpu.memref_squeeze %dma_start3A_174 : memref<1x16xf32, #tpu.memory_space<hbm>> -> memref<16xf32, #tpu.memory_space<hbm>>
    %dma_start3A_176 = tpu.memref_slice %arg10[%dma_start3A_170, %multiple_of3A] : memref<8x256xf32, #tpu.memory_space<hbm>> -> memref<1x16xf32, #tpu.memory_space<hbm>>
    %dma_start3A_177 = tpu.memref_squeeze %dma_start3A_176 : memref<1x16xf32, #tpu.memory_space<hbm>> -> memref<16xf32, #tpu.memory_space<hbm>>
    %dma_start3A_178 = arith.constant 0 : i32
    %dma_start3A_179 = tpu.memref_slice %arg12[%dma_start3A_169, %dma_start3A_178] : memref<6x16xf32, #tpu.memory_space<vmem>> -> memref<1x16xf32, #tpu.memory_space<vmem>>
    %dma_start3A_180 = tpu.memref_squeeze %dma_start3A_179 : memref<1x16xf32, #tpu.memory_space<vmem>> -> memref<16xf32, #tpu.memory_space<vmem>>
    tpu.enqueue_dma source(%dma_start3A_180 : memref<16xf32, #tpu.memory_space<vmem>>) target(%dma_start3A_177 : memref<16xf32, #tpu.memory_space<hbm>>) target_semaphore(%arg13 : memref<!tpu.dma_semaphore, #tpu.memory_space<semaphore_mem>>)
    %dma_start3A_181 = arith.constant 2 : i32
    %dma_start3A_182 = arith.constant 2 : i32
    %dma_start3A_183 = arith.constant 0 : i32
    %dma_start3A_184 = tpu.memref_slice %arg12[%dma_start3A_181, %dma_start3A_183] : memref<6x16xf32, #tpu.memory_space<vmem>> -> memref<1x16xf32, #tpu.memory_space<vmem>>
    %dma_start3A_185 = tpu.memref_squeeze %dma_start3A_184 : memref<1x16xf32, #tpu.memory_space<vmem>> -> memref<16xf32, #tpu.memory_space<vmem>>
    %dma_start3A_186 = tpu.memref_slice %arg10[%dma_start3A_182, %multiple_of3A] : memref<8x256xf32, #tpu.memory_space<hbm>> -> memref<1x16xf32, #tpu.memory_space<hbm>>
    %dma_start3A_187 = tpu.memref_squeeze %dma_start3A_186 : memref<1x16xf32, #tpu.memory_space<hbm>> -> memref<16xf32, #tpu.memory_space<hbm>>
    %dma_start3A_188 = tpu.memref_slice %arg10[%dma_start3A_182, %multiple_of3A] : memref<8x256xf32, #tpu.memory_space<hbm>> -> memref<1x16xf32, #tpu.memory_space<hbm>>
    %dma_start3A_189 = tpu.memref_squeeze %dma_start3A_188 : memref<1x16xf32, #tpu.memory_space<hbm>> -> memref<16xf32, #tpu.memory_space<hbm>>
    %dma_start3A_190 = arith.constant 0 : i32
    %dma_start3A_191 = tpu.memref_slice %arg12[%dma_start3A_181, %dma_start3A_190] : memref<6x16xf32, #tpu.memory_space<vmem>> -> memref<1x16xf32, #tpu.memory_space<vmem>>
    %dma_start3A_192 = tpu.memref_squeeze %dma_start3A_191 : memref<1x16xf32, #tpu.memory_space<vmem>> -> memref<16xf32, #tpu.memory_space<vmem>>
    tpu.enqueue_dma source(%dma_start3A_192 : memref<16xf32, #tpu.memory_space<vmem>>) target(%dma_start3A_189 : memref<16xf32, #tpu.memory_space<hbm>>) target_semaphore(%arg13 : memref<!tpu.dma_semaphore, #tpu.memory_space<semaphore_mem>>)
    %dma_start3A_193 = arith.constant 3 : i32
    %dma_start3A_194 = arith.constant 3 : i32
    %dma_start3A_195 = arith.constant 0 : i32
    %dma_start3A_196 = tpu.memref_slice %arg12[%dma_start3A_193, %dma_start3A_195] : memref<6x16xf32, #tpu.memory_space<vmem>> -> memref<1x16xf32, #tpu.memory_space<vmem>>
    %dma_start3A_197 = tpu.memref_squeeze %dma_start3A_196 : memref<1x16xf32, #tpu.memory_space<vmem>> -> memref<16xf32, #tpu.memory_space<vmem>>
    %dma_start3A_198 = tpu.memref_slice %arg10[%dma_start3A_194, %multiple_of3A] : memref<8x256xf32, #tpu.memory_space<hbm>> -> memref<1x16xf32, #tpu.memory_space<hbm>>
    %dma_start3A_199 = tpu.memref_squeeze %dma_start3A_198 : memref<1x16xf32, #tpu.memory_space<hbm>> -> memref<16xf32, #tpu.memory_space<hbm>>
    %dma_start3A_200 = tpu.memref_slice %arg10[%dma_start3A_194, %multiple_of3A] : memref<8x256xf32, #tpu.memory_space<hbm>> -> memref<1x16xf32, #tpu.memory_space<hbm>>
    %dma_start3A_201 = tpu.memref_squeeze %dma_start3A_200 : memref<1x16xf32, #tpu.memory_space<hbm>> -> memref<16xf32, #tpu.memory_space<hbm>>
    %dma_start3A_202 = arith.constant 0 : i32
    %dma_start3A_203 = tpu.memref_slice %arg12[%dma_start3A_193, %dma_start3A_202] : memref<6x16xf32, #tpu.memory_space<vmem>> -> memref<1x16xf32, #tpu.memory_space<vmem>>
    %dma_start3A_204 = tpu.memref_squeeze %dma_start3A_203 : memref<1x16xf32, #tpu.memory_space<vmem>> -> memref<16xf32, #tpu.memory_space<vmem>>
    tpu.enqueue_dma source(%dma_start3A_204 : memref<16xf32, #tpu.memory_space<vmem>>) target(%dma_start3A_201 : memref<16xf32, #tpu.memory_space<hbm>>) target_semaphore(%arg13 : memref<!tpu.dma_semaphore, #tpu.memory_space<semaphore_mem>>)
    %dma_start3A_205 = arith.constant 4 : i32
    %dma_start3A_206 = arith.constant 4 : i32
    %dma_start3A_207 = arith.constant 0 : i32
    %dma_start3A_208 = tpu.memref_slice %arg12[%dma_start3A_205, %dma_start3A_207] : memref<6x16xf32, #tpu.memory_space<vmem>> -> memref<1x16xf32, #tpu.memory_space<vmem>>
    %dma_start3A_209 = tpu.memref_squeeze %dma_start3A_208 : memref<1x16xf32, #tpu.memory_space<vmem>> -> memref<16xf32, #tpu.memory_space<vmem>>
    %dma_start3A_210 = tpu.memref_slice %arg10[%dma_start3A_206, %multiple_of3A] : memref<8x256xf32, #tpu.memory_space<hbm>> -> memref<1x16xf32, #tpu.memory_space<hbm>>
    %dma_start3A_211 = tpu.memref_squeeze %dma_start3A_210 : memref<1x16xf32, #tpu.memory_space<hbm>> -> memref<16xf32, #tpu.memory_space<hbm>>
    %dma_start3A_212 = tpu.memref_slice %arg10[%dma_start3A_206, %multiple_of3A] : memref<8x256xf32, #tpu.memory_space<hbm>> -> memref<1x16xf32, #tpu.memory_space<hbm>>
    %dma_start3A_213 = tpu.memref_squeeze %dma_start3A_212 : memref<1x16xf32, #tpu.memory_space<hbm>> -> memref<16xf32, #tpu.memory_space<hbm>>
    %dma_start3A_214 = arith.constant 0 : i32
    %dma_start3A_215 = tpu.memref_slice %arg12[%dma_start3A_205, %dma_start3A_214] : memref<6x16xf32, #tpu.memory_space<vmem>> -> memref<1x16xf32, #tpu.memory_space<vmem>>
    %dma_start3A_216 = tpu.memref_squeeze %dma_start3A_215 : memref<1x16xf32, #tpu.memory_space<vmem>> -> memref<16xf32, #tpu.memory_space<vmem>>
    tpu.enqueue_dma source(%dma_start3A_216 : memref<16xf32, #tpu.memory_space<vmem>>) target(%dma_start3A_213 : memref<16xf32, #tpu.memory_space<hbm>>) target_semaphore(%arg13 : memref<!tpu.dma_semaphore, #tpu.memory_space<semaphore_mem>>)
    %dma_start3A_217 = arith.constant 5 : i32
    %dma_start3A_218 = arith.constant 5 : i32
    %dma_start3A_219 = arith.constant 0 : i32
    %dma_start3A_220 = tpu.memref_slice %arg12[%dma_start3A_217, %dma_start3A_219] : memref<6x16xf32, #tpu.memory_space<vmem>> -> memref<1x16xf32, #tpu.memory_space<vmem>>
    %dma_start3A_221 = tpu.memref_squeeze %dma_start3A_220 : memref<1x16xf32, #tpu.memory_space<vmem>> -> memref<16xf32, #tpu.memory_space<vmem>>
    %dma_start3A_222 = tpu.memref_slice %arg10[%dma_start3A_218, %multiple_of3A] : memref<8x256xf32, #tpu.memory_space<hbm>> -> memref<1x16xf32, #tpu.memory_space<hbm>>
    %dma_start3A_223 = tpu.memref_squeeze %dma_start3A_222 : memref<1x16xf32, #tpu.memory_space<hbm>> -> memref<16xf32, #tpu.memory_space<hbm>>
    %dma_start3A_224 = tpu.memref_slice %arg10[%dma_start3A_218, %multiple_of3A] : memref<8x256xf32, #tpu.memory_space<hbm>> -> memref<1x16xf32, #tpu.memory_space<hbm>>
    %dma_start3A_225 = tpu.memref_squeeze %dma_start3A_224 : memref<1x16xf32, #tpu.memory_space<hbm>> -> memref<16xf32, #tpu.memory_space<hbm>>
    %dma_start3A_226 = arith.constant 0 : i32
    %dma_start3A_227 = tpu.memref_slice %arg12[%dma_start3A_217, %dma_start3A_226] : memref<6x16xf32, #tpu.memory_space<vmem>> -> memref<1x16xf32, #tpu.memory_space<vmem>>
    %dma_start3A_228 = tpu.memref_squeeze %dma_start3A_227 : memref<1x16xf32, #tpu.memory_space<vmem>> -> memref<16xf32, #tpu.memory_space<vmem>>
    tpu.enqueue_dma source(%dma_start3A_228 : memref<16xf32, #tpu.memory_space<vmem>>) target(%dma_start3A_225 : memref<16xf32, #tpu.memory_space<hbm>>) target_semaphore(%arg13 : memref<!tpu.dma_semaphore, #tpu.memory_space<semaphore_mem>>)
    %dma_wait3A_229 = arith.constant 0 : i32
    %dma_wait3A_230 = arith.constant 0 : i32
    %dma_wait3A_231 = arith.constant 0 : i32
    %dma_wait3A_232 = tpu.memref_slice %arg12[%dma_wait3A_229, %dma_wait3A_231] : memref<6x16xf32, #tpu.memory_space<vmem>> -> memref<1x16xf32, #tpu.memory_space<vmem>>
    %dma_wait3A_233 = tpu.memref_squeeze %dma_wait3A_232 : memref<1x16xf32, #tpu.memory_space<vmem>> -> memref<16xf32, #tpu.memory_space<vmem>>
    %dma_wait3A_234 = tpu.memref_slice %arg10[%dma_wait3A_230, %multiple_of3A] : memref<8x256xf32, #tpu.memory_space<hbm>> -> memref<1x16xf32, #tpu.memory_space<hbm>>
    %dma_wait3A_235 = tpu.memref_squeeze %dma_wait3A_234 : memref<1x16xf32, #tpu.memory_space<hbm>> -> memref<16xf32, #tpu.memory_space<hbm>>
    %dma_wait3A_236 = tpu.memref_slice %arg10[%dma_wait3A_230, %multiple_of3A] : memref<8x256xf32, #tpu.memory_space<hbm>> -> memref<1x16xf32, #tpu.memory_space<hbm>>
    %dma_wait3A_237 = tpu.memref_squeeze %dma_wait3A_236 : memref<1x16xf32, #tpu.memory_space<hbm>> -> memref<16xf32, #tpu.memory_space<hbm>>
    %dma_wait3A_238 = arith.constant 0 : i32
    %dma_wait3A_239 = tpu.memref_slice %arg12[%dma_wait3A_229, %dma_wait3A_238] : memref<6x16xf32, #tpu.memory_space<vmem>> -> memref<1x16xf32, #tpu.memory_space<vmem>>
    %dma_wait3A_240 = tpu.memref_squeeze %dma_wait3A_239 : memref<1x16xf32, #tpu.memory_space<vmem>> -> memref<16xf32, #tpu.memory_space<vmem>>
    tpu.wait_dma2 semaphore(%arg13 : memref<!tpu.dma_semaphore, #tpu.memory_space<semaphore_mem>>) src(%dma_wait3A_240 : memref<16xf32, #tpu.memory_space<vmem>>) dst(%dma_wait3A_237 : memref<16xf32, #tpu.memory_space<hbm>>)
    %dma_wait3A_241 = arith.constant 1 : i32
    %dma_wait3A_242 = arith.constant 1 : i32
    %dma_wait3A_243 = arith.constant 0 : i32
    %dma_wait3A_244 = tpu.memref_slice %arg12[%dma_wait3A_241, %dma_wait3A_243] : memref<6x16xf32, #tpu.memory_space<vmem>> -> memref<1x16xf32, #tpu.memory_space<vmem>>
    %dma_wait3A_245 = tpu.memref_squeeze %dma_wait3A_244 : memref<1x16xf32, #tpu.memory_space<vmem>> -> memref<16xf32, #tpu.memory_space<vmem>>
    %dma_wait3A_246 = tpu.memref_slice %arg10[%dma_wait3A_242, %multiple_of3A] : memref<8x256xf32, #tpu.memory_space<hbm>> -> memref<1x16xf32, #tpu.memory_space<hbm>>
    %dma_wait3A_247 = tpu.memref_squeeze %dma_wait3A_246 : memref<1x16xf32, #tpu.memory_space<hbm>> -> memref<16xf32, #tpu.memory_space<hbm>>
    %dma_wait3A_248 = tpu.memref_slice %arg10[%dma_wait3A_242, %multiple_of3A] : memref<8x256xf32, #tpu.memory_space<hbm>> -> memref<1x16xf32, #tpu.memory_space<hbm>>
    %dma_wait3A_249 = tpu.memref_squeeze %dma_wait3A_248 : memref<1x16xf32, #tpu.memory_space<hbm>> -> memref<16xf32, #tpu.memory_space<hbm>>
    %dma_wait3A_250 = arith.constant 0 : i32
    %dma_wait3A_251 = tpu.memref_slice %arg12[%dma_wait3A_241, %dma_wait3A_250] : memref<6x16xf32, #tpu.memory_space<vmem>> -> memref<1x16xf32, #tpu.memory_space<vmem>>
    %dma_wait3A_252 = tpu.memref_squeeze %dma_wait3A_251 : memref<1x16xf32, #tpu.memory_space<vmem>> -> memref<16xf32, #tpu.memory_space<vmem>>
    tpu.wait_dma2 semaphore(%arg13 : memref<!tpu.dma_semaphore, #tpu.memory_space<semaphore_mem>>) src(%dma_wait3A_252 : memref<16xf32, #tpu.memory_space<vmem>>) dst(%dma_wait3A_249 : memref<16xf32, #tpu.memory_space<hbm>>)
    %dma_wait3A_253 = arith.constant 2 : i32
    %dma_wait3A_254 = arith.constant 2 : i32
    %dma_wait3A_255 = arith.constant 0 : i32
    %dma_wait3A_256 = tpu.memref_slice %arg12[%dma_wait3A_253, %dma_wait3A_255] : memref<6x16xf32, #tpu.memory_space<vmem>> -> memref<1x16xf32, #tpu.memory_space<vmem>>
    %dma_wait3A_257 = tpu.memref_squeeze %dma_wait3A_256 : memref<1x16xf32, #tpu.memory_space<vmem>> -> memref<16xf32, #tpu.memory_space<vmem>>
    %dma_wait3A_258 = tpu.memref_slice %arg10[%dma_wait3A_254, %multiple_of3A] : memref<8x256xf32, #tpu.memory_space<hbm>> -> memref<1x16xf32, #tpu.memory_space<hbm>>
    %dma_wait3A_259 = tpu.memref_squeeze %dma_wait3A_258 : memref<1x16xf32, #tpu.memory_space<hbm>> -> memref<16xf32, #tpu.memory_space<hbm>>
    %dma_wait3A_260 = tpu.memref_slice %arg10[%dma_wait3A_254, %multiple_of3A] : memref<8x256xf32, #tpu.memory_space<hbm>> -> memref<1x16xf32, #tpu.memory_space<hbm>>
    %dma_wait3A_261 = tpu.memref_squeeze %dma_wait3A_260 : memref<1x16xf32, #tpu.memory_space<hbm>> -> memref<16xf32, #tpu.memory_space<hbm>>
    %dma_wait3A_262 = arith.constant 0 : i32
    %dma_wait3A_263 = tpu.memref_slice %arg12[%dma_wait3A_253, %dma_wait3A_262] : memref<6x16xf32, #tpu.memory_space<vmem>> -> memref<1x16xf32, #tpu.memory_space<vmem>>
    %dma_wait3A_264 = tpu.memref_squeeze %dma_wait3A_263 : memref<1x16xf32, #tpu.memory_space<vmem>> -> memref<16xf32, #tpu.memory_space<vmem>>
    tpu.wait_dma2 semaphore(%arg13 : memref<!tpu.dma_semaphore, #tpu.memory_space<semaphore_mem>>) src(%dma_wait3A_264 : memref<16xf32, #tpu.memory_space<vmem>>) dst(%dma_wait3A_261 : memref<16xf32, #tpu.memory_space<hbm>>)
    %dma_wait3A_265 = arith.constant 3 : i32
    %dma_wait3A_266 = arith.constant 3 : i32
    %dma_wait3A_267 = arith.constant 0 : i32
    %dma_wait3A_268 = tpu.memref_slice %arg12[%dma_wait3A_265, %dma_wait3A_267] : memref<6x16xf32, #tpu.memory_space<vmem>> -> memref<1x16xf32, #tpu.memory_space<vmem>>
    %dma_wait3A_269 = tpu.memref_squeeze %dma_wait3A_268 : memref<1x16xf32, #tpu.memory_space<vmem>> -> memref<16xf32, #tpu.memory_space<vmem>>
    %dma_wait3A_270 = tpu.memref_slice %arg10[%dma_wait3A_266, %multiple_of3A] : memref<8x256xf32, #tpu.memory_space<hbm>> -> memref<1x16xf32, #tpu.memory_space<hbm>>
    %dma_wait3A_271 = tpu.memref_squeeze %dma_wait3A_270 : memref<1x16xf32, #tpu.memory_space<hbm>> -> memref<16xf32, #tpu.memory_space<hbm>>
    %dma_wait3A_272 = tpu.memref_slice %arg10[%dma_wait3A_266, %multiple_of3A] : memref<8x256xf32, #tpu.memory_space<hbm>> -> memref<1x16xf32, #tpu.memory_space<hbm>>
    %dma_wait3A_273 = tpu.memref_squeeze %dma_wait3A_272 : memref<1x16xf32, #tpu.memory_space<hbm>> -> memref<16xf32, #tpu.memory_space<hbm>>
    %dma_wait3A_274 = arith.constant 0 : i32
    %dma_wait3A_275 = tpu.memref_slice %arg12[%dma_wait3A_265, %dma_wait3A_274] : memref<6x16xf32, #tpu.memory_space<vmem>> -> memref<1x16xf32, #tpu.memory_space<vmem>>
    %dma_wait3A_276 = tpu.memref_squeeze %dma_wait3A_275 : memref<1x16xf32, #tpu.memory_space<vmem>> -> memref<16xf32, #tpu.memory_space<vmem>>
    tpu.wait_dma2 semaphore(%arg13 : memref<!tpu.dma_semaphore, #tpu.memory_space<semaphore_mem>>) src(%dma_wait3A_276 : memref<16xf32, #tpu.memory_space<vmem>>) dst(%dma_wait3A_273 : memref<16xf32, #tpu.memory_space<hbm>>)
    %dma_wait3A_277 = arith.constant 4 : i32
    %dma_wait3A_278 = arith.constant 4 : i32
    %dma_wait3A_279 = arith.constant 0 : i32
    %dma_wait3A_280 = tpu.memref_slice %arg12[%dma_wait3A_277, %dma_wait3A_279] : memref<6x16xf32, #tpu.memory_space<vmem>> -> memref<1x16xf32, #tpu.memory_space<vmem>>
    %dma_wait3A_281 = tpu.memref_squeeze %dma_wait3A_280 : memref<1x16xf32, #tpu.memory_space<vmem>> -> memref<16xf32, #tpu.memory_space<vmem>>
    %dma_wait3A_282 = tpu.memref_slice %arg10[%dma_wait3A_278, %multiple_of3A] : memref<8x256xf32, #tpu.memory_space<hbm>> -> memref<1x16xf32, #tpu.memory_space<hbm>>
    %dma_wait3A_283 = tpu.memref_squeeze %dma_wait3A_282 : memref<1x16xf32, #tpu.memory_space<hbm>> -> memref<16xf32, #tpu.memory_space<hbm>>
    %dma_wait3A_284 = tpu.memref_slice %arg10[%dma_wait3A_278, %multiple_of3A] : memref<8x256xf32, #tpu.memory_space<hbm>> -> memref<1x16xf32, #tpu.memory_space<hbm>>
    %dma_wait3A_285 = tpu.memref_squeeze %dma_wait3A_284 : memref<1x16xf32, #tpu.memory_space<hbm>> -> memref<16xf32, #tpu.memory_space<hbm>>
    %dma_wait3A_286 = arith.constant 0 : i32
    %dma_wait3A_287 = tpu.memref_slice %arg12[%dma_wait3A_277, %dma_wait3A_286] : memref<6x16xf32, #tpu.memory_space<vmem>> -> memref<1x16xf32, #tpu.memory_space<vmem>>
    %dma_wait3A_288 = tpu.memref_squeeze %dma_wait3A_287 : memref<1x16xf32, #tpu.memory_space<vmem>> -> memref<16xf32, #tpu.memory_space<vmem>>
    tpu.wait_dma2 semaphore(%arg13 : memref<!tpu.dma_semaphore, #tpu.memory_space<semaphore_mem>>) src(%dma_wait3A_288 : memref<16xf32, #tpu.memory_space<vmem>>) dst(%dma_wait3A_285 : memref<16xf32, #tpu.memory_space<hbm>>)
    %dma_wait3A_289 = arith.constant 5 : i32
    %dma_wait3A_290 = arith.constant 5 : i32
    %dma_wait3A_291 = arith.constant 0 : i32
    %dma_wait3A_292 = tpu.memref_slice %arg12[%dma_wait3A_289, %dma_wait3A_291] : memref<6x16xf32, #tpu.memory_space<vmem>> -> memref<1x16xf32, #tpu.memory_space<vmem>>
    %dma_wait3A_293 = tpu.memref_squeeze %dma_wait3A_292 : memref<1x16xf32, #tpu.memory_space<vmem>> -> memref<16xf32, #tpu.memory_space<vmem>>
    %dma_wait3A_294 = tpu.memref_slice %arg10[%dma_wait3A_290, %multiple_of3A] : memref<8x256xf32, #tpu.memory_space<hbm>> -> memref<1x16xf32, #tpu.memory_space<hbm>>
    %dma_wait3A_295 = tpu.memref_squeeze %dma_wait3A_294 : memref<1x16xf32, #tpu.memory_space<hbm>> -> memref<16xf32, #tpu.memory_space<hbm>>
    %dma_wait3A_296 = tpu.memref_slice %arg10[%dma_wait3A_290, %multiple_of3A] : memref<8x256xf32, #tpu.memory_space<hbm>> -> memref<1x16xf32, #tpu.memory_space<hbm>>
    %dma_wait3A_297 = tpu.memref_squeeze %dma_wait3A_296 : memref<1x16xf32, #tpu.memory_space<hbm>> -> memref<16xf32, #tpu.memory_space<hbm>>
    %dma_wait3A_298 = arith.constant 0 : i32
    %dma_wait3A_299 = tpu.memref_slice %arg12[%dma_wait3A_289, %dma_wait3A_298] : memref<6x16xf32, #tpu.memory_space<vmem>> -> memref<1x16xf32, #tpu.memory_space<vmem>>
    %dma_wait3A_300 = tpu.memref_squeeze %dma_wait3A_299 : memref<1x16xf32, #tpu.memory_space<vmem>> -> memref<16xf32, #tpu.memory_space<vmem>>
    tpu.wait_dma2 semaphore(%arg13 : memref<!tpu.dma_semaphore, #tpu.memory_space<semaphore_mem>>) src(%dma_wait3A_300 : memref<16xf32, #tpu.memory_space<vmem>>) dst(%dma_wait3A_297 : memref<16xf32, #tpu.memory_space<hbm>>)
    return
  }
}

module attributes {stable_mosaic.version = 14 : i64} {
  func.func @_dense_body(%arg0: memref<256x256xf32, #tpu.memory_space<vmem>>, %arg1: memref<256x256xf32, #tpu.memory_space<vmem>>, %arg2: memref<1x256xf32, #tpu.memory_space<vmem>>, %arg3: memref<1x256xf32, #tpu.memory_space<vmem>>, %arg4: memref<8x256xf32, #tpu.memory_space<vmem>>, %arg5: memref<1xi32, #tpu.memory_space<smem>>, %arg6: memref<1x1xf32, #tpu.memory_space<smem>>, %arg7: memref<256xf32, #tpu.memory_space<vmem>>, %arg8: memref<256xf32, #tpu.memory_space<vmem>>) attributes {dimension_semantics = [], scalar_prefetch = 0 : i64, scratch_operands = 0 : i64, tpu.core_type = #tpu.core_type<tc>} {
    %iota3A = tpu.iota {dimensions = array<i32: 0>} : vector<256x256xi32>
    %iota3A_0 = tpu.iota {dimensions = array<i32: 1>} : vector<256x256xi32>
    %eq3A = arith.cmpi eq, %iota3A, %iota3A_0 : vector<256x256xi32>
    %broadcast_in_dim3A = arith.constant 0.000000e+00 : f32
    %broadcast_in_dim3A_1 = vector.broadcast %broadcast_in_dim3A : f32 to vector<256x256xf32>
    %get3A = arith.constant 0 : index
    %get3A_2 = memref.load %arg5[%get3A] : memref<1xi32, #tpu.memory_space<smem>>
    %eq3A_3 = arith.constant 0 : i32
    %eq3A_4 = arith.cmpi eq, %get3A_2, %eq3A_3 : i32
    %jit3A = arith.constant 1.000000e+00 : f32
    %jit3A_5 = arith.constant 0.000000e+00 : f32
    %select_n3A = arith.select %eq3A_4, %jit3A, %jit3A_5 : f32
    %get3A_6 = arith.constant 0 : index
    %get3A_7 = arith.constant 0 : index
    %get3A_8 = vector.load %arg1[%get3A_6, %get3A_7] : memref<256x256xf32, #tpu.memory_space<vmem>>, vector<256x256xf32>
    %get3A_9 = arith.constant 0 : index
    %get3A_10 = arith.constant 0 : index
    %get3A_11 = vector.load %arg3[%get3A_9, %get3A_10] : memref<1x256xf32, #tpu.memory_space<vmem>>, vector<1x256xf32>
    %get3A_12 = arith.constant 0 : index
    %get3A_13 = arith.constant 0 : index
    %get3A_14 = vector.load %arg4[%get3A_12, %get3A_13] : memref<8x256xf32, #tpu.memory_space<vmem>>, vector<1x256xf32>
    %get3A_15 = arith.constant 1 : index
    %get3A_16 = arith.constant 0 : index
    %get3A_17 = vector.load %arg4[%get3A_15, %get3A_16] : memref<8x256xf32, #tpu.memory_space<vmem>>, vector<1x256xf32>
    %get3A_18 = arith.constant 2 : index
    %get3A_19 = arith.constant 0 : index
    %get3A_20 = vector.load %arg4[%get3A_18, %get3A_19] : memref<8x256xf32, #tpu.memory_space<vmem>>, vector<1x256xf32>
    %div3A = arith.constant 1.000000e+00 : f32
    %div3A_21 = vector.broadcast %div3A : f32 to vector<1x256xf32>
    %div3A_22 = arith.divf %div3A_21, %get3A_14 : vector<1x256xf32>
    %mul3A = vector.broadcast %div3A_22 : vector<1x256xf32> to vector<256x256xf32>
    %mul3A_23 = arith.mulf %get3A_8, %mul3A : vector<256x256xf32>
    %mul3A_24 = arith.mulf %get3A_11, %div3A_22 : vector<1x256xf32>
    %max3A = arith.maximumf %mul3A_24, %get3A_17 : vector<1x256xf32>
    %sub3A = vector.broadcast %max3A : vector<1x256xf32> to vector<256x256xf32>
    %sub3A_25 = arith.subf %mul3A_23, %sub3A : vector<256x256xf32>
    %exp3A = math.exp %sub3A_25 : vector<256x256xf32>
    %select_n3A_26 = arith.select %eq3A, %broadcast_in_dim3A_1, %exp3A : vector<256x256xi1>, vector<256x256xf32>
    %reduce_sum3A = arith.constant dense<0.000000e+00> : vector<256xf32>
    %reduce_sum3A_27 = vector.multi_reduction <add>, %select_n3A_26, %reduce_sum3A [0] : vector<256x256xf32> to vector<256xf32>
    %broadcast_in_dim3A_28 = vector.shape_cast %reduce_sum3A_27 : vector<256xf32> to vector<1x256xf32>
    %mul3A_29 = arith.constant 2.000000e-01 : f32
    %mul3A_30 = vector.broadcast %mul3A_29 : f32 to vector<1x256xf32>
    %mul3A_31 = arith.mulf %mul3A_30, %get3A_20 : vector<1x256xf32>
    %sub3A_32 = arith.subf %get3A_17, %max3A : vector<1x256xf32>
    %exp3A_33 = math.exp %sub3A_32 : vector<1x256xf32>
    %mul3A_34 = arith.mulf %mul3A_31, %exp3A_33 : vector<1x256xf32>
    %mul3A_35 = arith.constant 8.000000e-01 : f32
    %mul3A_36 = vector.broadcast %mul3A_35 : f32 to vector<1x256xf32>
    %mul3A_37 = arith.mulf %mul3A_36, %broadcast_in_dim3A_28 : vector<1x256xf32>
    %add3A = arith.addf %mul3A_34, %mul3A_37 : vector<1x256xf32>
    %mul3A_38 = vector.broadcast %select_n3A : f32 to vector<1x256xf32>
    %mul3A_39 = arith.mulf %mul3A_38, %broadcast_in_dim3A_28 : vector<1x256xf32>
    %sub3A_40 = arith.constant 1.000000e+00 : f32
    %sub3A_41 = arith.subf %sub3A_40, %select_n3A : f32
    %mul3A_42 = vector.broadcast %sub3A_41 : f32 to vector<1x256xf32>
    %mul3A_43 = arith.mulf %mul3A_42, %add3A : vector<1x256xf32>
    %add3A_44 = arith.addf %mul3A_39, %mul3A_43 : vector<1x256xf32>
    %mul3A_45 = arith.mulf %select_n3A_26, %get3A_8 : vector<256x256xf32>
    %reduce_sum3A_46 = arith.constant dense<0.000000e+00> : vector<256xf32>
    %reduce_sum3A_47 = vector.multi_reduction <add>, %mul3A_45, %reduce_sum3A_46 [0] : vector<256x256xf32> to vector<256xf32>
    %broadcast_in_dim3A_48 = vector.shape_cast %reduce_sum3A_47 : vector<256xf32> to vector<1x256xf32>
    %max3A_49 = arith.constant 9.99999982E-15 : f32
    %max3A_50 = vector.broadcast %max3A_49 : f32 to vector<1x256xf32>
    %max3A_51 = arith.maximumf %add3A_44, %max3A_50 : vector<1x256xf32>
    %div3A_52 = arith.constant 1.000000e+00 : f32
    %div3A_53 = vector.broadcast %div3A_52 : f32 to vector<1x256xf32>
    %div3A_54 = arith.divf %div3A_53, %max3A_51 : vector<1x256xf32>
    %mul3A_55 = arith.mulf %broadcast_in_dim3A_48, %div3A_54 : vector<1x256xf32>
    %reduce_sum3A_56 = vector.shape_cast %mul3A_55 : vector<1x256xf32> to vector<1x1x256xf32>
    %reduce_sum3A_57 = arith.constant dense<0.000000e+00> : vector<1xf32>
    %reduce_sum3A_58 = vector.multi_reduction <add>, %reduce_sum3A_56, %reduce_sum3A_57 [1, 2] : vector<1x1x256xf32> to vector<1xf32>
    %reduce_sum3A_59 = vector.shape_cast %reduce_sum3A_58 : vector<1xf32> to vector<1x1x1xf32>
    %reduce_sum3A_60 = vector.extract %reduce_sum3A_59[0, 0, 0] : f32 from vector<1x1x1xf32>
    %get3A_61 = arith.constant 0 : index
    %get3A_62 = arith.constant 0 : index
    %get3A_63 = vector.load %arg0[%get3A_61, %get3A_62] : memref<256x256xf32, #tpu.memory_space<vmem>>, vector<256x256xf32>
    %get3A_64 = arith.constant 0 : index
    %get3A_65 = arith.constant 0 : index
    %get3A_66 = vector.load %arg2[%get3A_64, %get3A_65] : memref<1x256xf32, #tpu.memory_space<vmem>>, vector<1x256xf32>
    %get3A_67 = arith.constant 3 : index
    %get3A_68 = arith.constant 0 : index
    %get3A_69 = vector.load %arg4[%get3A_67, %get3A_68] : memref<8x256xf32, #tpu.memory_space<vmem>>, vector<1x256xf32>
    %get3A_70 = arith.constant 4 : index
    %get3A_71 = arith.constant 0 : index
    %get3A_72 = vector.load %arg4[%get3A_70, %get3A_71] : memref<8x256xf32, #tpu.memory_space<vmem>>, vector<1x256xf32>
    %get3A_73 = arith.constant 5 : index
    %get3A_74 = arith.constant 0 : index
    %get3A_75 = vector.load %arg4[%get3A_73, %get3A_74] : memref<8x256xf32, #tpu.memory_space<vmem>>, vector<1x256xf32>
    %div3A_76 = arith.constant 1.000000e+00 : f32
    %div3A_77 = vector.broadcast %div3A_76 : f32 to vector<1x256xf32>
    %div3A_78 = arith.divf %div3A_77, %get3A_69 : vector<1x256xf32>
    %mul3A_79 = vector.broadcast %div3A_78 : vector<1x256xf32> to vector<256x256xf32>
    %mul3A_80 = arith.mulf %get3A_63, %mul3A_79 : vector<256x256xf32>
    %mul3A_81 = arith.mulf %get3A_66, %div3A_78 : vector<1x256xf32>
    %max3A_82 = arith.maximumf %mul3A_81, %get3A_72 : vector<1x256xf32>
    %sub3A_83 = vector.broadcast %max3A_82 : vector<1x256xf32> to vector<256x256xf32>
    %sub3A_84 = arith.subf %mul3A_80, %sub3A_83 : vector<256x256xf32>
    %exp3A_85 = math.exp %sub3A_84 : vector<256x256xf32>
    %select_n3A_86 = arith.select %eq3A, %broadcast_in_dim3A_1, %exp3A_85 : vector<256x256xi1>, vector<256x256xf32>
    %reduce_sum3A_87 = arith.constant dense<0.000000e+00> : vector<256xf32>
    %reduce_sum3A_88 = vector.multi_reduction <add>, %select_n3A_86, %reduce_sum3A_87 [0] : vector<256x256xf32> to vector<256xf32>
    %broadcast_in_dim3A_89 = vector.shape_cast %reduce_sum3A_88 : vector<256xf32> to vector<1x256xf32>
    %mul3A_90 = arith.constant 2.000000e-01 : f32
    %mul3A_91 = vector.broadcast %mul3A_90 : f32 to vector<1x256xf32>
    %mul3A_92 = arith.mulf %mul3A_91, %get3A_75 : vector<1x256xf32>
    %sub3A_93 = arith.subf %get3A_72, %max3A_82 : vector<1x256xf32>
    %exp3A_94 = math.exp %sub3A_93 : vector<1x256xf32>
    %mul3A_95 = arith.mulf %mul3A_92, %exp3A_94 : vector<1x256xf32>
    %mul3A_96 = arith.constant 8.000000e-01 : f32
    %mul3A_97 = vector.broadcast %mul3A_96 : f32 to vector<1x256xf32>
    %mul3A_98 = arith.mulf %mul3A_97, %broadcast_in_dim3A_89 : vector<1x256xf32>
    %add3A_99 = arith.addf %mul3A_95, %mul3A_98 : vector<1x256xf32>
    %mul3A_100 = vector.broadcast %select_n3A : f32 to vector<1x256xf32>
    %mul3A_101 = arith.mulf %mul3A_100, %broadcast_in_dim3A_89 : vector<1x256xf32>
    %sub3A_102 = arith.constant 1.000000e+00 : f32
    %sub3A_103 = arith.subf %sub3A_102, %select_n3A : f32
    %mul3A_104 = vector.broadcast %sub3A_103 : f32 to vector<1x256xf32>
    %mul3A_105 = arith.mulf %mul3A_104, %add3A_99 : vector<1x256xf32>
    %add3A_106 = arith.addf %mul3A_101, %mul3A_105 : vector<1x256xf32>
    %mul3A_107 = arith.mulf %select_n3A_86, %get3A_63 : vector<256x256xf32>
    %reduce_sum3A_108 = arith.constant dense<0.000000e+00> : vector<256xf32>
    %reduce_sum3A_109 = vector.multi_reduction <add>, %mul3A_107, %reduce_sum3A_108 [0] : vector<256x256xf32> to vector<256xf32>
    %broadcast_in_dim3A_110 = vector.shape_cast %reduce_sum3A_109 : vector<256xf32> to vector<1x256xf32>
    %max3A_111 = arith.constant 9.99999982E-15 : f32
    %max3A_112 = vector.broadcast %max3A_111 : f32 to vector<1x256xf32>
    %max3A_113 = arith.maximumf %add3A_106, %max3A_112 : vector<1x256xf32>
    %div3A_114 = arith.constant 1.000000e+00 : f32
    %div3A_115 = vector.broadcast %div3A_114 : f32 to vector<1x256xf32>
    %div3A_116 = arith.divf %div3A_115, %max3A_113 : vector<1x256xf32>
    %mul3A_117 = arith.mulf %broadcast_in_dim3A_110, %div3A_116 : vector<1x256xf32>
    %reduce_sum3A_118 = vector.shape_cast %mul3A_117 : vector<1x256xf32> to vector<1x1x256xf32>
    %reduce_sum3A_119 = arith.constant dense<0.000000e+00> : vector<1xf32>
    %reduce_sum3A_120 = vector.multi_reduction <add>, %reduce_sum3A_118, %reduce_sum3A_119 [1, 2] : vector<1x1x256xf32> to vector<1xf32>
    %reduce_sum3A_121 = vector.shape_cast %reduce_sum3A_120 : vector<1xf32> to vector<1x1x1xf32>
    %reduce_sum3A_122 = vector.extract %reduce_sum3A_121[0, 0, 0] : f32 from vector<1x1x1xf32>
    %div3A_123 = arith.constant 2.560000e+02 : f32
    %div3A_124 = arith.divf %reduce_sum3A_60, %div3A_123 : f32
    %div3A_125 = arith.constant 2.560000e+02 : f32
    %div3A_126 = arith.divf %reduce_sum3A_122, %div3A_125 : f32
    %add3A_127 = arith.addf %div3A_124, %div3A_126 : f32
    %swap3A = arith.constant 0 : index
    %swap3A_128 = arith.constant 0 : index
    %swap3A_129 = memref.load %arg6[%swap3A, %swap3A_128] : memref<1x1xf32, #tpu.memory_space<smem>>
    memref.store %add3A_127, %arg6[%swap3A, %swap3A_128] : memref<1x1xf32, #tpu.memory_space<smem>>
    %get3A_130 = arith.constant 0 : index
    %get3A_131 = arith.constant 0 : index
    %get3A_132 = vector.load %arg4[%get3A_130, %get3A_131] : memref<8x256xf32, #tpu.memory_space<vmem>>, vector<1x256xf32>
    %squeeze3A = vector.shape_cast %get3A_132 : vector<1x256xf32> to vector<256xf32>
    %swap3A_133 = arith.constant 0 : index
    %swap3A_134 = vector.load %arg7[%swap3A_133] : memref<256xf32, #tpu.memory_space<vmem>>, vector<256xf32>
    tpu.vector_store %arg7[%swap3A_133], %squeeze3A {strides = array<i32>} : memref<256xf32, #tpu.memory_space<vmem>>, vector<256xf32>,
    %get3A_135 = arith.constant 3 : index
    %get3A_136 = arith.constant 0 : index
    %get3A_137 = vector.load %arg4[%get3A_135, %get3A_136] : memref<8x256xf32, #tpu.memory_space<vmem>>, vector<1x256xf32>
    %squeeze3A_138 = vector.shape_cast %get3A_137 : vector<1x256xf32> to vector<256xf32>
    %swap3A_139 = arith.constant 0 : index
    %swap3A_140 = vector.load %arg8[%swap3A_139] : memref<256xf32, #tpu.memory_space<vmem>>, vector<256xf32>
    tpu.vector_store %arg8[%swap3A_139], %squeeze3A_138 {strides = array<i32>} : memref<256xf32, #tpu.memory_space<vmem>>, vector<256xf32>,
    return
  }
}

module attributes {stable_mosaic.version = 14 : i64} {
  func.func @_matmul_body(%arg0: memref<256x256xf32, #tpu.memory_space<vmem>>, %arg1: memref<256x256xf32, #tpu.memory_space<vmem>>, %arg2: memref<256x256xf32, #tpu.memory_space<vmem>>, %arg3: memref<256x256xf32, #tpu.memory_space<vmem>>, %arg4: memref<1x256xf32, #tpu.memory_space<vmem>>, %arg5: memref<1x256xf32, #tpu.memory_space<vmem>>) attributes {dimension_semantics = [], scalar_prefetch = 0 : i64, scratch_operands = 0 : i64, tpu.core_type = #tpu.core_type<tc>} {
    %get3A = arith.constant 0 : index
    %get3A_0 = arith.constant 0 : index
    %get3A_1 = vector.load %arg0[%get3A, %get3A_0] : memref<256x256xf32, #tpu.memory_space<vmem>>, vector<256x256xf32>
    %get3A_2 = arith.constant 0 : index
    %get3A_3 = arith.constant 0 : index
    %get3A_4 = vector.load %arg1[%get3A_2, %get3A_3] : memref<256x256xf32, #tpu.memory_space<vmem>>, vector<256x256xf32>
    %dot_general3A = arith.constant dense<0.000000e+00> : vector<256x256xf32>
    %dot_general3A_5 = tpu.matmul %get3A_1, %get3A_4, %dot_general3A {dimension_numbers = #tpu.dot_dimension_numbers<[1], [1], [0], [0], [0, 0, 1, 0], [], []>, transpose_lhs_hint = false} : vector<256x256xf32>, vector<256x256xf32>, vector<256x256xf32> -> vector<256x256xf32>
    %get3A_6 = arith.constant 0 : index
    %get3A_7 = arith.constant 0 : index
    %get3A_8 = vector.load %arg1[%get3A_6, %get3A_7] : memref<256x256xf32, #tpu.memory_space<vmem>>, vector<256x256xf32>
    %get3A_9 = arith.constant 0 : index
    %get3A_10 = arith.constant 0 : index
    %get3A_11 = vector.load %arg0[%get3A_9, %get3A_10] : memref<256x256xf32, #tpu.memory_space<vmem>>, vector<256x256xf32>
    %dot_general3A_12 = arith.constant dense<0.000000e+00> : vector<256x256xf32>
    %dot_general3A_13 = tpu.matmul %get3A_8, %get3A_11, %dot_general3A_12 {dimension_numbers = #tpu.dot_dimension_numbers<[1], [1], [0], [0], [0, 0, 1, 0], [], []>, transpose_lhs_hint = false} : vector<256x256xf32>, vector<256x256xf32>, vector<256x256xf32> -> vector<256x256xf32>
    %iota3A = tpu.iota {dimensions = array<i32: 0>} : vector<256x256xi32>
    %iota3A_14 = tpu.iota {dimensions = array<i32: 1>} : vector<256x256xi32>
    %eq3A = arith.cmpi eq, %iota3A, %iota3A_14 : vector<256x256xi32>
    %broadcast_in_dim3A = arith.constant 0.000000e+00 : f32
    %broadcast_in_dim3A_15 = vector.broadcast %broadcast_in_dim3A : f32 to vector<256x256xf32>
    %select_n3A = arith.select %eq3A, %dot_general3A_5, %broadcast_in_dim3A_15 : vector<256x256xi1>, vector<256x256xf32>
    %reduce_sum3A = arith.constant dense<0.000000e+00> : vector<256xf32>
    %reduce_sum3A_16 = vector.multi_reduction <add>, %select_n3A, %reduce_sum3A [0] : vector<256x256xf32> to vector<256xf32>
    %broadcast_in_dim3A_17 = vector.shape_cast %reduce_sum3A_16 : vector<256xf32> to vector<1x256xf32>
    %sub3A = vector.broadcast %broadcast_in_dim3A_17 : vector<1x256xf32> to vector<256x256xf32>
    %sub3A_18 = arith.subf %dot_general3A_5, %sub3A : vector<256x256xf32>
    %sub3A_19 = vector.broadcast %broadcast_in_dim3A_17 : vector<1x256xf32> to vector<256x256xf32>
    %sub3A_20 = arith.subf %dot_general3A_13, %sub3A_19 : vector<256x256xf32>
    %swap3A = arith.constant 0 : index
    %swap3A_21 = arith.constant 0 : index
    %swap3A_22 = vector.load %arg2[%swap3A, %swap3A_21] : memref<256x256xf32, #tpu.memory_space<vmem>>, vector<256x256xf32>
    tpu.vector_store %arg2[%swap3A, %swap3A_21], %sub3A_18 {strides = array<i32>} : memref<256x256xf32, #tpu.memory_space<vmem>>, vector<256x256xf32>,
    %swap3A_23 = arith.constant 0 : index
    %swap3A_24 = arith.constant 0 : index
    %swap3A_25 = vector.load %arg3[%swap3A_23, %swap3A_24] : memref<256x256xf32, #tpu.memory_space<vmem>>, vector<256x256xf32>
    tpu.vector_store %arg3[%swap3A_23, %swap3A_24], %sub3A_20 {strides = array<i32>} : memref<256x256xf32, #tpu.memory_space<vmem>>, vector<256x256xf32>,
    %reduce_max3A = arith.constant dense<0xFF800000> : vector<256xf32>
    %reduce_max3A_26 = vector.multi_reduction <maximumf>, %sub3A_18, %reduce_max3A [0] : vector<256x256xf32> to vector<256xf32>
    %broadcast_in_dim3A_27 = vector.shape_cast %reduce_max3A_26 : vector<256xf32> to vector<1x256xf32>
    %swap3A_28 = arith.constant 0 : index
    %swap3A_29 = arith.constant 0 : index
    %swap3A_30 = vector.load %arg4[%swap3A_28, %swap3A_29] : memref<1x256xf32, #tpu.memory_space<vmem>>, vector<1x256xf32>
    tpu.vector_store %arg4[%swap3A_28, %swap3A_29], %broadcast_in_dim3A_27 {strides = array<i32>} : memref<1x256xf32, #tpu.memory_space<vmem>>, vector<1x256xf32>,
    %reduce_max3A_31 = arith.constant dense<0xFF800000> : vector<256xf32>
    %reduce_max3A_32 = vector.multi_reduction <maximumf>, %sub3A_20, %reduce_max3A_31 [0] : vector<256x256xf32> to vector<256xf32>
    %broadcast_in_dim3A_33 = vector.shape_cast %reduce_max3A_32 : vector<256xf32> to vector<1x256xf32>
    %swap3A_34 = arith.constant 0 : index
    %swap3A_35 = arith.constant 0 : index
    %swap3A_36 = vector.load %arg5[%swap3A_34, %swap3A_35] : memref<1x256xf32, #tpu.memory_space<vmem>>, vector<1x256xf32>
    tpu.vector_store %arg5[%swap3A_34, %swap3A_35], %broadcast_in_dim3A_33 {strides = array<i32>} : memref<1x256xf32, #tpu.memory_space<vmem>>, vector<1x256xf32>,
    return
  }
}

</mosaic_0001>

<sc_bundles>
// kernel: kernel.5.cloned.1.call-start
scs
__scs_entry_jumppad:
0x0: {  	(pc) =	sbr.rel $0x88, $3  }
0x1: {  	(tag) =	ssettag $0x0;
	lr =	simm.s32 $0x1  }
0x2: {  	[smem:$0x3F96] =	sst lr;
	_ =	strace $0xD0000000  }
0x3: {  	_ = 	snop  }
0x4: {  	_ = 	snop  }
0x5: {  	_ = 	snop  }
0x6: {  	_ = 	snop  }
0x7: {  	_ = 	snop  }
__scs_overlays_trampoline_lowered:
0x8: {  	[smem:$0x3FA5] =	sst s0  }
0x9: {  	[smem:$0x3FA6] =	sst s1  }
0xa: {  	[smem:$0x3FA7] =	sst s2  }
0xb: {  	[smem:$0x3FA8] =	sst s3  }
0xc: {  	[smem:$0x3FA9] =	sst s4  }
0xd: {  	[smem:$0x3FAA] =	sst s5  }
0xe: {  	[smem:$0x3FAB] =	sst s6  }
0xf: {  	[smem:$0x3FAC] =	sst s7  }
0x10: {  	[smem:$0x3FAD] =	sst s8  }
0x11: {  	[smem:$0x3FAE] =	sst s9;
	s0 =	simm.s32 @!p0 $0x0  }
0x12: {  	s1 =	sld [smem:$0x3F94];
	s0 =	simm.s32 @p0 $0x1  }
0x13: {  	[smem:$0x3FAF] =	sst s0;
	s0 =	simm.s32 @!p1 $0x0  }
0x14: {  	s2 =	sld [smem:$0x3F93];
	s0 =	simm.s32 @p1 $0x1  }
0x15: {  	[smem:$0x3FB0] =	sst s0;
	s0 =	simm.s32 @!p2 $0x0  }
0x16: {  	s3 =	sld [smem:$0x3FDB];
	s0 =	simm.s32 @p2 $0x1  }
0x17: {  	s4 =	simm.s32 $0x1BF5;
	[smem:$0x3FB2] =	sst s0  }
0x18: {  	s0 =	sld [smem:$0x3F95];
	_ =	swait.ge [sflag:s4], $0x0  }
0x19: {  	s7 =	sld [smem:$0x3F96]  }
0x1a: {  	s8 =	sadd.s32 $0xFFFFE003, lr  }
0x1b: {  	s9 =	sadd.s32 $0xFFFFFEF7, lr;
	s5 =	simm.s32 $0xFFFFFFFF;
	p2 =	slt.u32 s8, $0xFFFFF086  }
0x1c: {  	p1 =	slt.u32 s9, $0xF7A;
	s5 =	simm.s32 @!p2 $0x0  }
0x1d: {  	s5 =	simm.s32 @p1 $0x1;
	p0 =	seq.s32 s7, s2  }
0x1e: {  	s7 =	smul.u32 @!p0 $0xF7A, s2;
	p2 =	seq.s32 @!p0 s5, $0x0  }
0x1f: {  	s9 =	smul.u32 $0xF7A, s1;
	s8 =	simm.s32 @!p0 $0x1BF5;
	p2 =	por !p2, p0  }
0x20: {  	[sflag:s8] =	ssyncset.s32 @!p0 $0xFFFFF086;
	s6 =	sadd.s32 @!p0 s3, s7;
	s7 =	simm.s32 @!p0 $0x108  }
0x21: {  	s3 =	sadd.s32 s3, s9;
	s6 =	sadd.s32 @!p0 $0x88, s6;
	s7 =	simm.s32 @p2 $0x1082  }
0x22: {  	[simem:s7], [sflag:s8] =	dma.local @!p0 [hbm:s6], $0xF7A  }
0x23: {  	s9 =	sor.u32 $0xD0000000, s2;
	s6 =	simm.s32 $0x108;
	_ =	swait.ge @!p0 [sflag:s8], $0x0  }
0x24: {  	s3 =	sadd.s32 $0x88, s3;
	s6 =	simm.s32 @!p1 $0x1082;
	[sflag:s4] =	ssyncset.s32 $0xFFFFF086  }
0x25: {  	[simem:s6], [sflag:s4] =	dma.local [hbm:s3], $0xF7A  }
0x26: {  	[smem:$0x3F96] =	sst s1;
	(tag) =	ssettag s2;
	_ =	strace s9  }
0x27: {  	s1 =	sld [smem:$0x3FA6]  }
0x28: {  	s2 =	sld [smem:$0x3FA7]  }
0x29: {  	s4 =	sld [smem:$0x3FA9]  }
0x2a: {  	p0 =	seq.s32 s5, $0x0;
	s5 =	sld [smem:$0x3FAA]  }
0x2b: {  	s6 =	sld [smem:$0x3FAB]  }
0x2c: {  	s7 =	sld [smem:$0x3FAC]  }
0x2d: {  	s3 =	simm.s32 $0x108;
	s8 =	sld [smem:$0x3FAD]  }
0x2e: {  	s3 =	simm.s32 @!p0 $0x1082;
	s9 =	sld [smem:$0x3FAE]  }
0x2f: {  	lr =	sadd.s32 s0, s3;
	s0 =	sld [smem:$0x3FA5]  }
0x30: {  	s3 =	sld [smem:$0x3FA8]  }
0x31: {  	[smem:$0x3FB1] =	sst s10  }
0x32: {  	s10 =	sld [smem:$0x3FAF];
	_ =	sdelay $0x3  }
0x33: {  	p0 =	seq.s32 s10, $0x1;
	s10 =	sld [smem:$0x3FB1];
	_ =	sdelay $0x3  }
0x34: {  	[smem:$0x3FB1] =	sst s10  }
0x35: {  	s10 =	sld [smem:$0x3FB0];
	_ =	sdelay $0x3  }
0x36: {  	p1 =	seq.s32 s10, $0x1;
	s10 =	sld [smem:$0x3FB1];
	_ =	sdelay $0x3  }
0x37: {  	[smem:$0x3FB1] =	sst s10  }
0x38: {  	s10 =	sld [smem:$0x3FB2]  }
0x39: {  	_ = 	snop;
	(pc) =	sbr.ind lr, $3  }
0x3a: {  	_ = 	snop  }
0x3b: {  	_ = 	snop  }
0x3c: {  	p2 =	seq.s32 s10, $0x1;
	s10 =	sld [smem:$0x3FB1]  }
0x3d: {  	_ =	shalt  }
0x3e: {  	_ =	shalt  }
0x3f: {  	_ =	shalt  }
0x40: {  	_ =	shalt  }
0x41: {  	_ =	shalt  }
0x42: {  	_ =	shalt  }
0x43: {  	_ =	shalt  }
0x44: {  	_ =	shalt  }
0x45: {  	_ =	shalt  }
0x46: {  	_ =	shalt  }
0x47: {  	_ =	shalt  }
0x48: {  	_ =	shalt  }
0x49: {  	_ =	shalt  }
0x4a: {  	_ =	shalt  }
0x4b: {  	_ =	shalt  }
0x4c: {  	_ =	shalt  }
0x4d: {  	_ =	shalt  }
0x4e: {  	_ =	shalt  }
0x4f: {  	_ =	shalt  }
0x50: {  	_ =	shalt  }
0x51: {  	_ =	shalt  }
0x52: {  	_ =	shalt  }
0x53: {  	_ =	shalt  }
0x54: {  	_ =	shalt  }
0x55: {  	_ =	shalt  }
0x56: {  	_ =	shalt  }
0x57: {  	_ =	shalt  }
0x58: {  	_ =	shalt  }
0x59: {  	_ =	shalt  }
0x5a: {  	_ =	shalt  }
0x5b: {  	_ =	shalt  }
0x5c: {  	_ =	shalt  }
0x5d: {  	_ =	shalt  }
0x5e: {  	_ =	shalt  }
0x5f: {  	_ =	shalt  }
0x60: {  	_ =	shalt  }
0x61: {  	_ =	shalt  }
0x62: {  	_ =	shalt  }
0x63: {  	_ =	shalt  }
0x64: {  	_ =	shalt  }
0x65: {  	_ =	shalt  }
0x66: {  	_ =	shalt  }
0x67: {  	_ =	shalt  }
0x68: {  	_ =	shalt  }
0x69: {  	_ =	shalt  }
0x6a: {  	_ =	shalt  }
0x6b: {  	_ =	shalt  }
0x6c: {  	_ =	shalt  }
0x6d: {  	_ =	shalt  }
0x6e: {  	_ =	shalt  }
0x6f: {  	_ =	shalt  }
0x70: {  	_ =	shalt  }
0x71: {  	_ =	shalt  }
0x72: {  	_ =	shalt  }
0x73: {  	_ =	shalt  }
0x74: {  	_ =	shalt  }
0x75: {  	_ =	shalt  }
0x76: {  	_ =	shalt  }
0x77: {  	_ =	shalt  }
0x78: {  	_ =	shalt  }
0x79: {  	_ =	shalt  }
0x7a: {  	_ =	shalt  }
0x7b: {  	_ =	shalt  }
0x7c: {  	_ =	shalt  }
0x7d: {  	_ =	shalt  }
0x7e: {  	_ =	shalt  }
0x7f: {  	_ =	shalt  }
0x80: {  	_ =	shalt  }
0x81: {  	_ =	shalt  }
0x82: {  	_ =	shalt  }
0x83: {  	_ =	shalt  }
0x84: {  	_ =	shalt  }
0x85: {  	_ =	shalt  }
0x86: {  	_ =	shalt  }
0x87: {  	_ =	shalt  }
.Lfunc_end0:
.L_simem_size_0:
called_computation_lowered:
.L_overlay_start_0:
0x88: {  	s0 =	sld [smem:$0x3FD9]  }
0x89: {  	s1 =	sld [smem:$0x3FFE];
	_ =	sdelay $0x3  }
0x8a: {  	s0 =	sadd.s32 s1, s0  }
0x8b: {  	[smem:$0x3FBD] =	sst s0  }
0x8c: {  	_ = 	snop  }
0x8d: {  	s0 =	sld [smem:$0x3FC7]  }
0x8e: {  	s16 =	sld [smem:$0x3FC6]  }
0x8f: {  	s2 =	sld [smem:$0x3FC4]  }
0x90: {  	s3 =	sld [smem:$0x3FC3]  }
0x91: {  	s4 =	sld [smem:$0x3FC2]  }
0x92: {  	s5 =	sld [smem:$0x3FC1]  }
0x93: {  	s6 =	sld [smem:$0x3FC0]  }
0x94: {  	s7 =	sld [smem:$0x3FBF];
	(tm) =	ssettm $0x1  }
0x95: {  	s8 =	sld [smem:$0x3FFB];
	_ =	sdelay $0x3  }
0x96: {  	_ =	strace s8  }
0x97: {  	s8 =	sld [smem:$0x3FFC];
	_ =	sdelay $0x3  }
0x98: {  	_ =	strace s8  }
0x99: {  	s8 =	sld [smem:$0x3FFD];
	_ =	sdelay $0x3  }
0x9a: {  	_ =	strace s8  }
0x9b: {  	_ =	strace $0x8FFFFFFF  }
0x9c: {  	s17 =	sld [smem:$0x3FDB];
	_ =	sdelay $0x1  }
0x9d: {  	s9 =	simm.s32 $_scs_section_size  }
0x9e: {  	s10 =	simm.s32 $_size__tile_overlayer_lowered;
	s11 =	simm.s32 $_tile_overlayer_lowered  }
0x9f: {  	s20 =	simm.s32 $0x1BFF;
	s19 =	sshll.u32 s11, $0x1;
	s8 =	sadd.s32 s9, s17  }
0xa0: {  	s12 =	simm.s32 $0x0;
	s18 =	sshll.u32 s10, $0x1;
	s10 =	sadd.s32 s19, s8  }
0xa1: {  	[timem:s12], [sflag:s20] =	dma.local [hbm:s10], s18  }
0xa2: {  	_ =	swait.ge [sflag:s20], s18  }
0xa3: {  	s9 =	ssub.s32 $0x0, s18;
	[sflag:s20] =	ssyncset.done $0x0  }
0xa4: {  	[sflag:s20] =	ssyncadd.s32 s9;
	_ =	sdelay $0x1  }
0xa5: {  	s21 =	simm.s32 $0x1B8B  }
0xa6: {  	_ =	swait.ge [sflag:s21], $0x1  }
0xa7: {  	[sflag:s21] =	ssyncset.done $0x0  }
0xa8: {  	s23 =	simm.s32 $0x1B8E;
	s22 =	sld [smem:$0x3FFE];
	[sflag:s21] =	ssyncadd.s32 $0xFFFFFFFF  }
0xa9: {  	s24 =	simm.s32 $execute0_lowered;
	[smem:$0x3FD2] =	sst s23  }
0xaa: {  	s10 =	sshll.u32 s24, $0x1;
	_ =	strace $0x80000046;
	[dreg:$0x1] =	wrdreg $0xFFFFFFFF  }
0xab: {  	s25 =	simm.s32 $_size_execute0_lowered;
	s8 =	sadd.s32 s8, s10;
	[dreg:$0x0] =	wrdreg $0x0  }
0xac: {  	s10 =	sshll.u32 s25, $0x1;
	[dreg:$0x2] =	wrdreg s8  }
0xad: {  	[dreg:$0x3] =	wrdreg s10  }
0xae: {  	[dreg:$0x4] =	wrdreg $0xC0  }
0xaf: {  	_ =	task [dreg:s12], $0x5FFFF  }
0xb0: {  	[dreg:$0x1] =	wrdreg $0xFFFFFFFF  }
0xb1: {  	[dreg:$0x0] =	wrdreg $0x60  }
0xb2: {  	[dreg:$0x2] =	wrdreg s6  }
0xb3: {  	[dreg:$0x3] =	wrdreg s4  }
0xb4: {  	[dreg:$0x4] =	wrdreg s2  }
0xb5: {  	[dreg:$0x5] =	wrdreg s7  }
0xb6: {  	[dreg:$0x6] =	wrdreg s5  }
0xb7: {  	[dreg:$0x7] =	wrdreg s3  }
0xb8: {  	[dreg:$0x8] =	wrdreg s0  }
0xb9: {  	[dreg:$0x9] =	wrdreg s16  }
0xba: {  	[dreg:$0xa] =	wrdreg s22  }
0xbb: {  	[dreg:$0xb] =	wrdreg $0x9  }
0xbc: {  	_ =	task.clear_ibuf [dreg:s12], $0xCFFFF;
	_ =	strace $0x90000046  }
0xbd: {  	s26 =	simm.s32 $0x9;
	_ =	strace $0x80000048  }
0xbe: {  	_ =	swait.ge [sflag:s26], $0x1  }
0xbf: {  	[sflag:s26] =	ssyncadd.s32 $0xFFFFFFFF  }
0xc0: {  	_ =	strace $0x90000048  }
0xc1: {  	_ =	sfence  }
0xc2: {  	s28 =	sld [smem:$0x0];
	_ =	sdelay $0x1  }
0xc3: {  	s29 =	srdreg.scid  }
0xc4: {  	s30 =	sshll.u32 s29, $0xD;
	s31 =	sshrl.u32 s29, $0x2  }
0xc5: {  	s1 =	sand.u32 $0x1, s29;
	s2 =	sand.u32 $0x4000, s30;
	s0 =	sadd.s32 s31, s28  }
0xc6: {  	s1 =	sor.u32 s2, s1;
	s0 =	sshll.u32 s0, $0x11  }
0xc7: {  	s0 =	sor.u32 s0, s1  }
0xc8: {  	s0 =	sadd.s32 $0x8F2B, s0  }
0xc9: {  	[sflag:s0] =	ssyncadd.remote.s32 $0x1  }
0xca: {  	_ =	sfence.sel $0xFFFF  }
0xcb: {  	[dreg:$0x0] =	wrdreg $0xFFFFFFFF;
	(pc) =	sbr.abs _section_cstart, $3  }
0xcc: {  	[dreg:$0x1] =	wrdreg $0xFFFFFFFF  }
0xcd: {  	_ =	task.clear_ibuf [dreg:s12], $0x2FFFF;
	_ =	strace $0x9FFFFFFF  }
0xce: {  	(tm) =	ssettm $0x7FFFFFFF  }
0xcf: {  	_ =	shalt  }
tec
execute0_lowered:
.L_overlay_start_1:
0x0: {  	(tag) =	ssettag $0x1  }
0x1: {  	s4 =	rddreg [dreg:$0x0]  }
0x2: {  	s5 =	rddreg [dreg:$0x1]  }
0x3: {  	s6 =	rddreg [dreg:$0x2]  }
0x4: {  	s7 =	rddreg [dreg:$0x3]  }
0x5: {  	s8 =	rddreg [dreg:$0x4]  }
0x6: {  	s9 =	rddreg [dreg:$0x5]  }
0x7: {  	s2 =	rddreg [dreg:$0x6]  }
0x8: {  	s10 =	rddreg [dreg:$0x7]  }
0x9: {  	s11 =	rddreg [dreg:$0x8];
	s3 =	simm.s32 $0x0;
	s1 =	stileid.u32  }
0xa: {  	[smem:$0x7FF] =	sst s3;
	s12 =	sshll.u32 s1, $0x1  }
0xb: {  	s0 =	rddreg [dreg:$0x9];
	_ =	strace $0x80000047;
	s2 =	sadd.s32 s2, s12  }
0xc: {  	[tilespmem:s3], [sflag:$0x1] =	stream.linear.gather [hbm4b:s2+s3], $0x10, $0x38;
	[tilespmem:$0x500] =	vst v63  }
0xd: {  	s17 =	simm.s32 $0x80;
	s18 =	simm.s32 $0x1;
	s16 =	sadd.s32 s10, s12  }
0xe: {  	[tilespmem:s17], [sflag:$0x1] =	stream.linear.gather [hbm4b:s16+s3], $0x10, $0x38;
	[tilespmem:$0x500] =	vst v63  }
0xf: {  	_ =	swait.ge [sflag:s18], $0x10  }
0x10: {  	[sflag:s18] =	ssyncset.done $0x0  }
0x11: {  	[sflag:s18] =	ssyncadd.s32 $0xFFFFFFF0  }
0x12: {  	_ =	swait.ge [sflag:s18], $0x10  }
0x13: {  	[sflag:s18] =	ssyncset.done $0x0  }
0x14: {  	s13 =	simm.s32 $0x10;
	s14 =	simm.s32 $0x100;
	[sflag:s18] =	ssyncadd.s32 $0xFFFFFFF0  }
0x15: {  	[tilespmem:s14], [sflag:$0x1] =	stream.indirect.gather [hbm4b:s4+s13], $0x1, s3, s13, $0xb8;
	[tilespmem:$0x500] =	vst v63  }
0x16: {  	s19 =	simm.s32 $0x180  }
0x17: {  	[tilespmem:s19], [sflag:$0x1] =	stream.indirect.gather [hbm4b:s5+s13], $0x1, s3, s13, $0xb8;
	[tilespmem:$0x500] =	vst v63  }
0x18: {  	s20 =	simm.s32 $0x200  }
0x19: {  	[tilespmem:s20], [sflag:$0x1] =	stream.indirect.gather [hbm4b:s6+s13], $0x1, s3, s13, $0xb8;
	[tilespmem:$0x500] =	vst v63  }
0x1a: {  	s21 =	simm.s32 $0x280  }
0x1b: {  	[tilespmem:s21], [sflag:$0x1] =	stream.indirect.gather [hbm4b:s7+s13], $0x1, s17, s13, $0xb8;
	[tilespmem:$0x500] =	vst v63  }
0x1c: {  	s22 =	simm.s32 $0x300  }
0x1d: {  	[tilespmem:s22], [sflag:$0x1] =	stream.indirect.gather [hbm4b:s8+s13], $0x1, s17, s13, $0xb8;
	[tilespmem:$0x500] =	vst v63  }
0x1e: {  	s23 =	simm.s32 $0x380  }
0x1f: {  	[tilespmem:s23], [sflag:$0x1] =	stream.indirect.gather [hbm4b:s9+s13], $0x1, s17, s13, $0xb8;
	[tilespmem:$0x500] =	vst v63  }
0x20: {  	_ =	swait.ge [sflag:s18], $0x10  }
0x21: {  	[sflag:s18] =	ssyncset.done $0x0  }
0x22: {  	[sflag:s18] =	ssyncadd.s32 $0xFFFFFFF0  }
0x23: {  	_ =	swait.ge [sflag:s18], $0x10  }
0x24: {  	[sflag:s18] =	ssyncset.done $0x0  }
0x25: {  	[sflag:s18] =	ssyncadd.s32 $0xFFFFFFF0  }
0x26: {  	_ =	swait.ge [sflag:s18], $0x10  }
0x27: {  	[sflag:s18] =	ssyncset.done $0x0  }
0x28: {  	[sflag:s18] =	ssyncadd.s32 $0xFFFFFFF0  }
0x29: {  	_ =	swait.ge [sflag:s18], $0x10  }
0x2a: {  	[sflag:s18] =	ssyncset.done $0x0  }
0x2b: {  	[sflag:s18] =	ssyncadd.s32 $0xFFFFFFF0  }
0x2c: {  	_ =	swait.ge [sflag:s18], $0x10  }
0x2d: {  	s24 =	sshll.u32 s1, $0x4;
	[sflag:s18] =	ssyncset.done $0x0  }
0x2e: {  	s9 =	sor.u32 s12, s24;
	[sflag:s18] =	ssyncadd.s32 $0xFFFFFFF0  }
0x2f: {  	s9 =	sand.u32 $0x8E, s9;
	_ =	swait.ge [sflag:s18], $0x10  }
0x30: {  	s9 =	sadd.s32 s9, s11;
	[sflag:s18] =	ssyncset.done $0x0  }
0x31: {  	s25 =	sadd.s32 $0xE00, s9;
	[sflag:s18] =	ssyncadd.s32 $0xFFFFFFF0  }
0x32: {  	[hbm4b:s25+s3] =	stream.linear.scatter [tilespmem:s14], [sflag:$0x1], $0x10, $0x38;
	[tilespmem:$0x500] =	vst v63  }
0x33: {  	s26 =	sadd.s32 $0xE10, s9  }
0x34: {  	[hbm4b:s26+s3] =	stream.linear.scatter [tilespmem:s19], [sflag:$0x1], $0x10, $0x38;
	[tilespmem:$0x500] =	vst v63  }
0x35: {  	s28 =	sadd.s32 $0xE20, s9  }
0x36: {  	[hbm4b:s28+s3] =	stream.linear.scatter [tilespmem:s20], [sflag:$0x1], $0x10, $0x38;
	[tilespmem:$0x500] =	vst v63  }
0x37: {  	s29 =	sadd.s32 $0xE30, s9  }
0x38: {  	[hbm4b:s29+s3] =	stream.linear.scatter [tilespmem:s21], [sflag:$0x1], $0x10, $0x38;
	[tilespmem:$0x500] =	vst v63  }
0x39: {  	s30 =	sadd.s32 $0xE40, s9  }
0x3a: {  	[hbm4b:s30+s3] =	stream.linear.scatter [tilespmem:s22], [sflag:$0x1], $0x10, $0x38;
	[tilespmem:$0x500] =	vst v63  }
0x3b: {  	s31 =	sadd.s32 $0xE50, s9  }
0x3c: {  	[hbm4b:s31+s3] =	stream.linear.scatter [tilespmem:s23], [sflag:$0x1], $0x10, $0x38;
	[tilespmem:$0x500] =	vst v63  }
0x3d: {  	_ =	swait.ge [sflag:s18], $0x10  }
0x3e: {  	[sflag:s18] =	ssyncset.done $0x0  }
0x3f: {  	[sflag:s18] =	ssyncadd.s32 $0xFFFFFFF0  }
0x40: {  	_ =	swait.ge [sflag:s18], $0x10  }
0x41: {  	[sflag:s18] =	ssyncset.done $0x0  }
0x42: {  	[sflag:s18] =	ssyncadd.s32 $0xFFFFFFF0  }
0x43: {  	_ =	swait.ge [sflag:s18], $0x10  }
0x44: {  	[sflag:s18] =	ssyncset.done $0x0  }
0x45: {  	[sflag:s18] =	ssyncadd.s32 $0xFFFFFFF0  }
0x46: {  	_ =	swait.ge [sflag:s18], $0x10  }
0x47: {  	[sflag:s18] =	ssyncset.done $0x0  }
0x48: {  	[sflag:s18] =	ssyncadd.s32 $0xFFFFFFF0  }
0x49: {  	_ =	swait.ge [sflag:s18], $0x10  }
0x4a: {  	[sflag:s18] =	ssyncset.done $0x0  }
0x4b: {  	[sflag:s18] =	ssyncadd.s32 $0xFFFFFFF0  }
0x4c: {  	_ =	swait.ge [sflag:s18], $0x10  }
0x4d: {  	[sflag:s18] =	ssyncset.done $0x0  }
0x4e: {  	[sflag:s18] =	ssyncadd.s32 $0xFFFFFFF0  }
0x4f: {  	_ =	sfence.sel $0x180000  }
0x50: {  	[bflag:$0x0] =	sbarrier.arrive $0xFFFF  }
0x51: {  	p0 =	sne.s32 s1, $0x0;
	_ =	strace $0x90000047  }
0x52: {  	s0 =	sadd.s32 @!p0 $0x100000, s0;
	[bflag:$0x2] =	sbarrier.arrive $0xFFFF  }
0x53: {  	[sflag:s0] =	ssyncadd.tile.s32 @!p0 $0x1;
	_ =	shalt  }
.Lfunc_end2:
_tile_overlayer_lowered:
.L_overlay_start_2:
0x54: {  	(tag) =	ssettag $0x2  }
0x55: {  	s0 =	rddreg [dreg:$0x0];
	s2 =	stileid.u32  }
0x56: {  	s1 =	rddreg [dreg:$0x1];
	p0 =	sne.s32 s2, $0x0  }
0x57: {  	s3 =	rddreg [dreg:$0x2];
	[bflag:$0x3] =	sbarrier.arrive $0xFFFF;
	s2 =	simm.s32 @!p0 $0x1C02  }
0x58: {  	[timem:s3], [sflag:s2] =	dma.local @!p0 [hbm:s0], s1  }
0x59: {  	s0 =	simm.s32 @!p0 $0x2  }
0x5a: {  	_ =	swait.ge @!p0 [sflag:s0], s1  }
0x5b: {  	s1 =	ssub.s32 @!p0 $0x0, s1;
	[sflag:s0] =	ssyncset.done @!p0 $0x0  }
0x5c: {  	[sflag:s0] =	ssyncadd.s32 @!p0 s1  }
0x5d: {  	[bflag:$0x3] =	sbarrier.arrive $0xFFFF  }
0x5e: {  	_ =	shalt  }

</sc_bundles>
